<compile_context>
chip_gen: v7x
topology: tpu7x:2x2x1
jax: 0.10.2.dev20260603
libtpu: 0.0.44.dev20260713+nightly
codegen_flags: <defaults>
</compile_context>

<pallas_src>
import jax
import jax.numpy as jnp
from jax import lax
from jax.experimental import pallas as pl
from jax.experimental.pallas import tpu as pltpu
from jax.experimental.pallas import tpu_sc as plsc

F32 = jnp.float32

_NC = 2
_NS = 16
_CHUNK = 128
_NBUF = 2
_NPAD = 16384


def _sc_mesh():
    return plsc.VectorSubcoreMesh(core_axis_name="c", subcore_axis_name="s")


def _make_deg_kernel(nchunks, n_nodes):
    epw = _NPAD // _NS
    rows_w = epw // 128
    cps = nchunks // (_NC * _NS)

    def body(dst_hbm, out_hbm, ones_v, id2, t1d, t2d, sh, sem):
        c = lax.axis_index("c")
        s = lax.axis_index("s")
        w = c * _NS + s
        base = pl.multiple_of(s * epw, 8)

        pltpu.sync_copy(dst_hbm.at[pl.ds(pl.multiple_of(w * cps, 8), cps)], id2)

        @pl.loop(0, epw, step=16)
        def _(r):
            t1d[pl.ds(r, 16)] = jnp.zeros((16,), F32)

        @pl.loop(0, _CHUNK, step=16)
        def _(r):
            ones_v[pl.ds(r, 16)] = jnp.ones((16,), F32)

        pltpu.sync_copy(t1d, sh.at[pl.ds(base, epw)])
        plsc.subcore_barrier()

        @pl.loop(0, cps)
        def _(j):
            pltpu.async_copy(ones_v, sh.at[id2.at[j]], sem, add=True)

        @pl.loop(0, cps)
        def _(j):
            pltpu.make_async_copy(ones_v, sh.at[id2.at[0]], sem).wait()

        plsc.subcore_barrier()
        pltpu.sync_copy(sh.at[pl.ds(base, epw)], t1d)

        @pl.loop(0, rows_w)
        def _(r):
            @pl.loop(0, 128, step=16)
            def _(c0):
                t2d[r, pl.ds(c0, 16)] = t1d[pl.ds(r * 128 + c0, 16)]

        row0 = pl.multiple_of((c * _NPAD + s * epw) // 128, 8)
        pltpu.sync_copy(t2d, out_hbm.at[pl.ds(row0, rows_w)])

    return pl.kernel(
        body,
        out_type=jax.ShapeDtypeStruct((_NC * _NPAD // 128, 128), F32),
        mesh=_sc_mesh(),
        scratch_types=[
            pltpu.VMEM((_CHUNK,), F32),
            pltpu.VMEM((cps, _CHUNK), jnp.int32),
            pltpu.VMEM((epw,), F32),
            pltpu.VMEM((rows_w, 128), F32),
            pltpu.VMEM_SHARED((_NPAD,), F32),
            pltpu.SemaphoreType.DMA,
        ],
    )


def _make_edge_kernel(nchunks, n_nodes, d):
    step = (n_nodes // _NS) & ~7
    rw = n_nodes - (_NS - 1) * step
    n_acc = n_nodes
    cps = nchunks // (_NC * _NS)
    half = cps // 2
    kmax = half // _NBUF

    def body(hs_hbm, src_hbm, dst_hbm, out_hbm,
             is2, id2, rv0, rv1, sh, g0, g1, s0, s1):
        c = lax.axis_index("c")
        s = lax.axis_index("s")
        w = c * _NS + s
        base = pl.multiple_of(s * step, 8)
        rvs = (rv0, rv1)
        gsem = (g0, g1)
        ssem = (s0, s1)
        zv = jnp.zeros((16,), F32)

        @pl.loop(0, _CHUNK)
        def _(r):
            @pl.loop(0, d, step=16)
            def _(c0):
                rv0[r, pl.ds(c0, 16)] = zv

        @pl.loop(0, rw // _CHUNK)
        def _(k):
            pltpu.sync_copy(
                rv0, sh.at[pl.ds(pl.multiple_of(base + k * _CHUNK, 8), _CHUNK)])

        plsc.subcore_barrier()

        for ph in range(2):
            cbase = pl.multiple_of(w * cps + ph * half, 8)
            pltpu.sync_copy(src_hbm.at[pl.ds(cbase, half)], is2)
            pltpu.sync_copy(dst_hbm.at[pl.ds(cbase, half)], id2)

            for b in range(_NBUF):
                pltpu.async_copy(hs_hbm.at[is2.at[b]], rvs[b], gsem[b])

            @pl.loop(0, kmax)
            def _(k):
                for b in range(_NBUF):
                    j = k * _NBUF + b
                    pltpu.make_async_copy(hs_hbm.at[is2.at[0]], rvs[b],
                                          gsem[b]).wait()
                    pltpu.async_copy(rvs[b], sh.at[id2.at[j]], ssem[b],
                                     add=True)

                    @pl.when(k < kmax - 1)
                    def _(b=b, j=j):
                        pltpu.make_async_copy(rvs[b], sh.at[id2.at[0]],
                                              ssem[b]).wait()
                        pltpu.async_copy(hs_hbm.at[is2.at[j + _NBUF]], rvs[b],
                                         gsem[b])

            for b in range(_NBUF):
                pltpu.make_async_copy(rvs[b], sh.at[id2.at[0]], ssem[b]).wait()

        plsc.subcore_barrier()
        pltpu.sync_copy(sh.at[pl.ds(base, rw)],
                        out_hbm.at[pl.ds(pl.multiple_of(c * n_nodes + base, 8), rw)])

    return pl.kernel(
        body,
        out_type=jax.ShapeDtypeStruct((_NC * n_nodes, d), F32),
        mesh=_sc_mesh(),
        scratch_types=[
            pltpu.VMEM((half, _CHUNK), jnp.int32),
            pltpu.VMEM((half, _CHUNK), jnp.int32),
            pltpu.VMEM((_CHUNK, d), F32),
            pltpu.VMEM((_CHUNK, d), F32),
            pltpu.VMEM_SHARED((n_acc, d), F32),
            pltpu.SemaphoreType.DMA,
            pltpu.SemaphoreType.DMA,
            pltpu.SemaphoreType.DMA,
            pltpu.SemaphoreType.DMA,
        ],
    )


def _mm1_body(x_ref, w1_ref, b1_ref, wc_ref, h_ref):
    t = lax.dot_general(x_ref[...], w1_ref[...], (((1,), (1,)), ((), ())),
                        preferred_element_type=F32)
    t = jnp.maximum(t + b1_ref[...], 0.0)
    h_ref[...] = lax.dot_general(t, wc_ref[...], (((1,), (1,)), ((), ())),
                                 preferred_element_type=F32)


def _dinv_body(dp_ref, o_ref):
    dp = dp_ref[...]
    npr = _NPAD // 128
    deg = dp[:npr] + dp[npr:] + 1.0
    o_ref[...] = lax.rsqrt(deg)


def _scale_body(h_ref, dv_ref, hs_ref):
    hs_ref[...] = h_ref[...] * dv_ref[...]


def _final_body(acca_ref, accb_ref, hs_ref, dv_ref, bc_ref, wo_ref, bo_ref,
                y_ref):
    acc = acca_ref[...] + accb_ref[...]
    a = jnp.maximum((acc + hs_ref[...]) * dv_ref[...] + bc_ref[...], 0.0)
    y_ref[...] = lax.dot_general(a, wo_ref[...], (((1,), (1,)), ((), ())),
                                 preferred_element_type=F32) + bo_ref[...]


def _row_spec(br, d):
    return pl.BlockSpec((br, d), lambda i: (i, 0))


def _full_spec(shape):
    nd = len(shape)
    return pl.BlockSpec(shape, lambda i: (0,) * nd)


def kernel(x, edge_index, W1, b1, Wc, bc, Wo, bo):
    n, d = x.shape
    e = edge_index.shape[1]
    br = 2000
    grid = (n // br,)

    nw = _NC * _NS
    nchunks0 = (e + _CHUNK - 1) // _CHUNK
    cps = ((nchunks0 + nw - 1) // nw + 2 * _NBUF - 1) // (2 * _NBUF) * 2 * _NBUF
    nchunks = nw * cps
    epad = nchunks * _CHUNK
    ar = jnp.arange(epad - e, dtype=jnp.int32)
    src_p = jnp.concatenate(
        [edge_index[0], n + (ar % 8)]).reshape(nchunks, _CHUNK)
    dst_p = jnp.concatenate(
        [edge_index[1], ar % n]).reshape(nchunks, _CHUNK)
    dst_g = jnp.concatenate(
        [edge_index[1], n + (ar % (_NPAD - n))]).reshape(nchunks, _CHUNK)
    b1r = b1.reshape(1, d)
    bcr = bc.reshape(1, d)
    bor = bo.reshape(1, d)

    deg_pad = _make_deg_kernel(nchunks, n)(dst_g)

    h = pl.pallas_call(
        _mm1_body,
        grid=grid,
        in_specs=[_row_spec(br, d), _full_spec((d, d)), _full_spec((1, d)),
                  _full_spec((d, d))],
        out_specs=_row_spec(br, d),
        out_shape=jax.ShapeDtypeStruct((n, d), F32),
    )(x, W1, b1r, Wc)

    npr = _NPAD // 128
    dinv_pad = pl.pallas_call(
        _dinv_body,
        grid=(1,),
        in_specs=[_full_spec((2 * npr, 128))],
        out_specs=_full_spec((npr, 128)),
        out_shape=jax.ShapeDtypeStruct((npr, 128), F32),
    )(deg_pad)
    dinv_col = dinv_pad.reshape(_NPAD)[:n].reshape(n, 1)

    hs = pl.pallas_call(
        _scale_body,
        grid=grid,
        in_specs=[_row_spec(br, d), _row_spec(br, 1)],
        out_specs=_row_spec(br, d),
        out_shape=jax.ShapeDtypeStruct((n, d), F32),
    )(h, dinv_col)

    hs_pad = jnp.concatenate([hs, jnp.zeros((8, d), F32)])
    acc2 = _make_edge_kernel(nchunks, n, d)(hs_pad, src_p, dst_p)

    nb = n // br
    y = pl.pallas_call(
        _final_body,
        grid=grid,
        in_specs=[_row_spec(br, d),
                  pl.BlockSpec((br, d), lambda i, nb=nb: (i + nb, 0)),
                  _row_spec(br, d),
                  _row_spec(br, 1),
                  _full_spec((1, d)), _full_spec((d, d)), _full_spec((1, d))],
        out_specs=_row_spec(br, d),
        out_shape=jax.ShapeDtypeStruct((n, d), F32),
    )(acc2, acc2, hs, dinv_col, bcr, Wo, bor)

    return y

# --- scband reference (transcript-rebuilt; emitter-appended) ---
"""Pipeline reference for scband-gcn-84284438217386 (READ-ONLY COPY).

The authoritative reference and input builder live on the scoring server;
editing this copy changes nothing except your own understanding.
"""

import jax, jax.numpy as jnp
import numpy as np

N_NODES = 10000
N_EDGES = 320000
D = 128


def setup_inputs(seed: int = 0) -> dict:
    key = jax.random.key(seed)
    ks = jax.random.split(key, 9)
    s = 1.0 / np.sqrt(D)
    x = jax.random.normal(ks[0], (N_NODES, D), dtype=jnp.float32)
    edge_index = jax.random.randint(ks[1], (2, N_EDGES), 0, N_NODES, dtype=jnp.int32)
    W1 = jax.random.normal(ks[2], (D, D), dtype=jnp.float32) * s
    b1 = jax.random.normal(ks[3], (D,), dtype=jnp.float32) * s
    Wc = jax.random.normal(ks[4], (D, D), dtype=jnp.float32) * s
    bc = jax.random.normal(ks[5], (D,), dtype=jnp.float32) * s
    Wo = jax.random.normal(ks[6], (D, D), dtype=jnp.float32) * s
    bo = jax.random.normal(ks[7], (D,), dtype=jnp.float32) * s
    return {"x": x, "edge_index": edge_index, "W1": W1, "b1": b1, "Wc": Wc, "bc": bc, "Wo": Wo, "bo": bo}


def _gcn_conv(h, src, dst, Wc, bc):
    # GCNConv: x' = D^{-1/2} (A + I) D^{-1/2} X W + b
    N = h.shape[0]
    h = h @ Wc.T
    loop = jnp.arange(N, dtype=src.dtype)
    src_f = jnp.concatenate([src, loop])
    dst_f = jnp.concatenate([dst, loop])
    deg = jnp.zeros((N,), dtype=h.dtype).at[dst_f].add(1.0)
    dinv = jnp.where(deg > 0, jax.lax.rsqrt(jnp.maximum(deg, 1e-12)), 0.0)
    norm = dinv[src_f] * dinv[dst_f]
    msg = h[src_f] * norm[:, None]
    out = jnp.zeros_like(h).at[dst_f].add(msg)
    return out + bc


def reference(x, edge_index, W1, b1, Wc, bc, Wo, bo):
    x = x.astype(jnp.float32)
    src, dst = edge_index[0], edge_index[1]
    # first linear + relu
    x = jax.nn.relu(x @ W1.T + b1)
    # single GCNConv (dims = [128,128,128] -> one conv) + relu
    x = jax.nn.relu(_gcn_conv(x, src, dst, Wc, bc))
    # output linear
    return x @ Wo.T + bo

if __name__ == "__main__":
    import jax
    _d = setup_inputs()
    print(jax.jit(kernel)(*tuple(_d.values())))

</pallas_src>

<mosaic_0001>
#map = affine_map<(d0, d1) -> (0, 0)>
module attributes {stable_mosaic.version = 14 : i64} {
  func.func @body(%arg0: i32, %arg1: i32, %arg2: memref<10008x128xf32, #tpu.memory_space<hbm>>, %arg3: memref<2560x128xi32, #tpu.memory_space<hbm>>, %arg4: memref<2560x128xi32, #tpu.memory_space<hbm>>, %arg5: memref<20000x128xf32, #tpu.memory_space<hbm>>, %arg6: memref<40x128xi32, #tpu.memory_space<vmem>>, %arg7: memref<40x128xi32, #tpu.memory_space<vmem>>, %arg8: memref<128x128xf32, #tpu.memory_space<vmem>>, %arg9: memref<128x128xf32, #tpu.memory_space<vmem>>, %arg10: memref<10000x128xf32, #tpu.memory_space<vmem_shared>>, %arg11: memref<!tpu.dma_semaphore, #tpu.memory_space<semaphore_mem>>, %arg12: memref<!tpu.dma_semaphore, #tpu.memory_space<semaphore_mem>>, %arg13: memref<!tpu.dma_semaphore, #tpu.memory_space<semaphore_mem>>, %arg14: memref<!tpu.dma_semaphore, #tpu.memory_space<semaphore_mem>>) attributes {dimension_semantics = [#tpu.dimension_semantics<core_parallel>, #tpu.dimension_semantics<subcore_parallel>], iteration_bounds = array<i64: 2, 16>, scalar_prefetch = 0 : i64, scratch_operands = 9 : i64, tpu.core_type = #tpu.core_type<sc_vector_subcore>, window_params = [{transform_indices = #map}, {transform_indices = #map}, {transform_indices = #map}, {transform_indices = #map}]} {
    %mul3A = arith.constant 16 : i32
    %mul3A_0 = arith.muli %arg0, %mul3A : i32
    %add3A = arith.addi %mul3A_0, %arg1 : i32
    %mul3A_1 = arith.constant 624 : i32
    %mul3A_2 = arith.muli %arg1, %mul3A_1 : i32
    %multiple_of3A = tpu.assume_multiple %mul3A_2, 8 : i32
    %broadcast_in_dim3A = arith.constant 0.000000e+00 : f32
    %broadcast_in_dim3A_3 = vector.broadcast %broadcast_in_dim3A : f32 to vector<16xf32>
    %scan3A = arith.constant 0 : i32
    %scan3A_4 = arith.constant 128 : i32
    %scan3A_5 = arith.addi %scan3A, %scan3A_4 : i32
    %scan3A_6 = arith.constant 1 : i32
    scf.for %scan3A_92 = %scan3A to %scan3A_5 step %scan3A_6  : i32 {
      %mul3A_93 = arith.constant 1 : i32
      %mul3A_94 = arith.muli %scan3A_92, %mul3A_93 : i32
      %add3A_95 = arith.constant 0 : i32
      %add3A_96 = arith.addi %add3A_95, %mul3A_94 : i32
      %scan3A_97 = arith.constant 0 : i32
      %scan3A_98 = arith.constant 8 : i32
      %scan3A_99 = arith.addi %scan3A_97, %scan3A_98 : i32
      %scan3A_100 = arith.constant 1 : i32
      scf.for %scan3A_102 = %scan3A_97 to %scan3A_99 step %scan3A_100  : i32 {
        %mul3A_103 = arith.constant 16 : i32
        %mul3A_104 = arith.muli %scan3A_102, %mul3A_103 : i32
        %add3A_105 = arith.constant 0 : i32
        %add3A_106 = arith.addi %add3A_105, %mul3A_104 : i32
        %swap3A = arith.index_cast %add3A_96 : i32 to index
        %swap3A_107 = arith.index_cast %add3A_106 : i32 to index
        %swap3A_108 = tpu.vector_load %arg8[%swap3A, %swap3A_107] {strides = array<i32>} : memref<128x128xf32, #tpu.memory_space<vmem>>, vector<1x16xf32>,
        %swap3A_109 = vector.shape_cast %swap3A_108 : vector<1x16xf32> to vector<16xf32>
        %swap3A_110 = vector.shape_cast %broadcast_in_dim3A_3 : vector<16xf32> to vector<1x16xf32>
        tpu.vector_store %arg8[%swap3A, %swap3A_107], %swap3A_110 {strides = array<i32>} : memref<128x128xf32, #tpu.memory_space<vmem>>, vector<1x16xf32>,
      }
      %scan3A_101 = arith.constant 8 : i32
    }
    %scan3A_7 = arith.constant 128 : i32
    %scan3A_8 = arith.constant 0 : i32
    %scan3A_9 = arith.constant 5 : i32
    %scan3A_10 = arith.addi %scan3A_8, %scan3A_9 : i32
    %scan3A_11 = arith.constant 1 : i32
    scf.for %scan3A_92 = %scan3A_8 to %scan3A_10 step %scan3A_11  : i32 {
      %mul3A_93 = arith.constant 1 : i32
      %mul3A_94 = arith.muli %scan3A_92, %mul3A_93 : i32
      %add3A_95 = arith.constant 0 : i32
      %add3A_96 = arith.addi %add3A_95, %mul3A_94 : i32
      %mul3A_97 = arith.constant 128 : i32
      %mul3A_98 = arith.muli %add3A_96, %mul3A_97 : i32
      %add3A_99 = arith.addi %multiple_of3A, %mul3A_98 : i32
      %multiple_of3A_100 = tpu.assume_multiple %add3A_99, 8 : i32
      "tpu.region"() ({
        %run_scoped3A = tpu.sem_alloc : memref<!tpu.dma_semaphore, #tpu.memory_space<semaphore_mem>>
        %dma_start3A_101 = arith.constant 0 : i32
        %dma_start3A_102 = tpu.memref_slice %arg10[%multiple_of3A_100, %dma_start3A_101] : memref<10000x128xf32, #tpu.memory_space<vmem_shared>> -> memref<128x128xf32, #tpu.memory_space<vmem_shared>>
        %dma_start3A_103 = arith.constant 0 : i32
        %dma_start3A_104 = tpu.memref_slice %arg10[%multiple_of3A_100, %dma_start3A_103] : memref<10000x128xf32, #tpu.memory_space<vmem_shared>> -> memref<128x128xf32, #tpu.memory_space<vmem_shared>>
        tpu.enqueue_dma source(%arg8 : memref<128x128xf32, #tpu.memory_space<vmem>>) target(%dma_start3A_104 : memref<128x128xf32, #tpu.memory_space<vmem_shared>>) target_semaphore(%run_scoped3A : memref<!tpu.dma_semaphore, #tpu.memory_space<semaphore_mem>>)
        %dma_wait3A_105 = arith.constant 0 : i32
        %dma_wait3A_106 = tpu.memref_slice %arg10[%multiple_of3A_100, %dma_wait3A_105] : memref<10000x128xf32, #tpu.memory_space<vmem_shared>> -> memref<128x128xf32, #tpu.memory_space<vmem_shared>>
        %dma_wait3A_107 = arith.constant 0 : i32
        %dma_wait3A_108 = tpu.memref_slice %arg10[%multiple_of3A_100, %dma_wait3A_107] : memref<10000x128xf32, #tpu.memory_space<vmem_shared>> -> memref<128x128xf32, #tpu.memory_space<vmem_shared>>
        tpu.wait_dma2 semaphore(%run_scoped3A : memref<!tpu.dma_semaphore, #tpu.memory_space<semaphore_mem>>) src(%arg8 : memref<128x128xf32, #tpu.memory_space<vmem>>) dst(%dma_wait3A_108 : memref<128x128xf32, #tpu.memory_space<vmem_shared>>)
        tpu.yield
      }) : () -> ()
    }
    %scan3A_12 = arith.constant 5 : i32
    %barrier3A = arith.constant 0 : index
    tpu.barrier barrier_id(%barrier3A)
    %mul3A_13 = arith.constant 80 : i32
    %mul3A_14 = arith.muli %add3A, %mul3A_13 : i32
    %add3A_15 = arith.constant 0 : i32
    %add3A_16 = arith.addi %mul3A_14, %add3A_15 : i32
    %multiple_of3A_17 = tpu.assume_multiple %add3A_16, 8 : i32
    "tpu.region"() ({
      %run_scoped3A = tpu.sem_alloc : memref<!tpu.dma_semaphore, #tpu.memory_space<semaphore_mem>>
      %dma_start3A_92 = arith.constant 0 : i32
      %dma_start3A_93 = tpu.memref_slice %arg3[%multiple_of3A_17, %dma_start3A_92] : memref<2560x128xi32, #tpu.memory_space<hbm>> -> memref<40x128xi32, #tpu.memory_space<hbm>>
      %dma_start3A_94 = arith.constant 0 : i32
      %dma_start3A_95 = tpu.memref_slice %arg3[%multiple_of3A_17, %dma_start3A_94] : memref<2560x128xi32, #tpu.memory_space<hbm>> -> memref<40x128xi32, #tpu.memory_space<hbm>>
      tpu.enqueue_dma source(%dma_start3A_95 : memref<40x128xi32, #tpu.memory_space<hbm>>) target(%arg6 : memref<40x128xi32, #tpu.memory_space<vmem>>) target_semaphore(%run_scoped3A : memref<!tpu.dma_semaphore, #tpu.memory_space<semaphore_mem>>)
      %dma_wait3A_96 = arith.constant 0 : i32
      %dma_wait3A_97 = tpu.memref_slice %arg3[%multiple_of3A_17, %dma_wait3A_96] : memref<2560x128xi32, #tpu.memory_space<hbm>> -> memref<40x128xi32, #tpu.memory_space<hbm>>
      %dma_wait3A_98 = arith.constant 0 : i32
      %dma_wait3A_99 = tpu.memref_slice %arg3[%multiple_of3A_17, %dma_wait3A_98] : memref<2560x128xi32, #tpu.memory_space<hbm>> -> memref<40x128xi32, #tpu.memory_space<hbm>>
      tpu.wait_dma2 semaphore(%run_scoped3A : memref<!tpu.dma_semaphore, #tpu.memory_space<semaphore_mem>>) src(%dma_wait3A_99 : memref<40x128xi32, #tpu.memory_space<hbm>>) dst(%arg6 : memref<40x128xi32, #tpu.memory_space<vmem>>)
      tpu.yield
    }) : () -> ()
    "tpu.region"() ({
      %run_scoped3A = tpu.sem_alloc : memref<!tpu.dma_semaphore, #tpu.memory_space<semaphore_mem>>
      %dma_start3A_92 = arith.constant 0 : i32
      %dma_start3A_93 = tpu.memref_slice %arg4[%multiple_of3A_17, %dma_start3A_92] : memref<2560x128xi32, #tpu.memory_space<hbm>> -> memref<40x128xi32, #tpu.memory_space<hbm>>
      %dma_start3A_94 = arith.constant 0 : i32
      %dma_start3A_95 = tpu.memref_slice %arg4[%multiple_of3A_17, %dma_start3A_94] : memref<2560x128xi32, #tpu.memory_space<hbm>> -> memref<40x128xi32, #tpu.memory_space<hbm>>
      tpu.enqueue_dma source(%dma_start3A_95 : memref<40x128xi32, #tpu.memory_space<hbm>>) target(%arg7 : memref<40x128xi32, #tpu.memory_space<vmem>>) target_semaphore(%run_scoped3A : memref<!tpu.dma_semaphore, #tpu.memory_space<semaphore_mem>>)
      %dma_wait3A_96 = arith.constant 0 : i32
      %dma_wait3A_97 = tpu.memref_slice %arg4[%multiple_of3A_17, %dma_wait3A_96] : memref<2560x128xi32, #tpu.memory_space<hbm>> -> memref<40x128xi32, #tpu.memory_space<hbm>>
      %dma_wait3A_98 = arith.constant 0 : i32
      %dma_wait3A_99 = tpu.memref_slice %arg4[%multiple_of3A_17, %dma_wait3A_98] : memref<2560x128xi32, #tpu.memory_space<hbm>> -> memref<40x128xi32, #tpu.memory_space<hbm>>
      tpu.wait_dma2 semaphore(%run_scoped3A : memref<!tpu.dma_semaphore, #tpu.memory_space<semaphore_mem>>) src(%dma_wait3A_99 : memref<40x128xi32, #tpu.memory_space<hbm>>) dst(%arg7 : memref<40x128xi32, #tpu.memory_space<vmem>>)
      tpu.yield
    }) : () -> ()
    %dma_start3A = arith.constant 0 : i32
    %dma_start3A_18 = arith.constant 0 : i32
    %dma_start3A_19 = tpu.memref_slice %arg6[%dma_start3A, %dma_start3A_18] : memref<40x128xi32, #tpu.memory_space<vmem>> -> memref<1x128xi32, #tpu.memory_space<vmem>>
    %dma_start3A_20 = tpu.memref_squeeze %dma_start3A_19 : memref<1x128xi32, #tpu.memory_space<vmem>> -> memref<128xi32, #tpu.memory_space<vmem>>
    %dma_start3A_21 = arith.constant 0 : i32
    %dma_start3A_22 = arith.constant 0 : i32
    %dma_start3A_23 = tpu.memref_slice %arg2[%dma_start3A_21, %dma_start3A_22] : memref<10008x128xf32, #tpu.memory_space<hbm>> -> memref<10008x128xf32, #tpu.memory_space<hbm>>
    tpu.enqueue_indirect_dma source(%dma_start3A_23 : memref<10008x128xf32, #tpu.memory_space<hbm>>) target(%arg8 : memref<128x128xf32, #tpu.memory_space<vmem>>) offsets(%dma_start3A_20 : memref<128xi32, #tpu.memory_space<vmem>>) semaphore(%arg11 : memref<!tpu.dma_semaphore, #tpu.memory_space<semaphore_mem>>)
    %dma_start3A_24 = arith.constant 1 : i32
    %dma_start3A_25 = arith.constant 0 : i32
    %dma_start3A_26 = tpu.memref_slice %arg6[%dma_start3A_24, %dma_start3A_25] : memref<40x128xi32, #tpu.memory_space<vmem>> -> memref<1x128xi32, #tpu.memory_space<vmem>>
    %dma_start3A_27 = tpu.memref_squeeze %dma_start3A_26 : memref<1x128xi32, #tpu.memory_space<vmem>> -> memref<128xi32, #tpu.memory_space<vmem>>
    %dma_start3A_28 = arith.constant 0 : i32
    %dma_start3A_29 = arith.constant 0 : i32
    %dma_start3A_30 = tpu.memref_slice %arg2[%dma_start3A_28, %dma_start3A_29] : memref<10008x128xf32, #tpu.memory_space<hbm>> -> memref<10008x128xf32, #tpu.memory_space<hbm>>
    tpu.enqueue_indirect_dma source(%dma_start3A_30 : memref<10008x128xf32, #tpu.memory_space<hbm>>) target(%arg9 : memref<128x128xf32, #tpu.memory_space<vmem>>) offsets(%dma_start3A_27 : memref<128xi32, #tpu.memory_space<vmem>>) semaphore(%arg12 : memref<!tpu.dma_semaphore, #tpu.memory_space<semaphore_mem>>)
    %scan3A_31 = arith.constant 0 : i32
    %scan3A_32 = arith.constant 20 : i32
    %scan3A_33 = arith.addi %scan3A_31, %scan3A_32 : i32
    %scan3A_34 = arith.constant 1 : i32
    scf.for %scan3A_92 = %scan3A_31 to %scan3A_33 step %scan3A_34  : i32 {
      %mul3A_93 = arith.constant 1 : i32
      %mul3A_94 = arith.muli %scan3A_92, %mul3A_93 : i32
      %add3A_95 = arith.constant 0 : i32
      %add3A_96 = arith.addi %add3A_95, %mul3A_94 : i32
      %mul3A_97 = arith.constant 2 : i32
      %mul3A_98 = arith.muli %add3A_96, %mul3A_97 : i32
      %add3A_99 = arith.constant 0 : i32
      %add3A_100 = arith.addi %mul3A_98, %add3A_99 : i32
      %dma_wait3A_101 = arith.constant 0 : i32
      %dma_wait3A_102 = arith.constant 0 : i32
      %dma_wait3A_103 = tpu.memref_slice %arg6[%dma_wait3A_101, %dma_wait3A_102] : memref<40x128xi32, #tpu.memory_space<vmem>> -> memref<1x128xi32, #tpu.memory_space<vmem>>
      %dma_wait3A_104 = tpu.memref_squeeze %dma_wait3A_103 : memref<1x128xi32, #tpu.memory_space<vmem>> -> memref<128xi32, #tpu.memory_space<vmem>>
      %dma_wait3A_105 = arith.constant 0 : i32
      %dma_wait3A_106 = arith.constant 0 : i32
      %dma_wait3A_107 = tpu.memref_slice %arg2[%dma_wait3A_105, %dma_wait3A_106] : memref<10008x128xf32, #tpu.memory_space<hbm>> -> memref<10008x128xf32, #tpu.memory_space<hbm>>
      tpu.wait_indirect_dma semaphore(%arg11 : memref<!tpu.dma_semaphore, #tpu.memory_space<semaphore_mem>>) src(%dma_wait3A_107 : memref<10008x128xf32, #tpu.memory_space<hbm>>) dst(%arg8 : memref<128x128xf32, #tpu.memory_space<vmem>>)
      %dma_start3A_108 = arith.constant 0 : i32
      %dma_start3A_109 = tpu.memref_slice %arg7[%add3A_100, %dma_start3A_108] : memref<40x128xi32, #tpu.memory_space<vmem>> -> memref<1x128xi32, #tpu.memory_space<vmem>>
      %dma_start3A_110 = tpu.memref_squeeze %dma_start3A_109 : memref<1x128xi32, #tpu.memory_space<vmem>> -> memref<128xi32, #tpu.memory_space<vmem>>
      %dma_start3A_111 = arith.constant 0 : i32
      %dma_start3A_112 = arith.constant 0 : i32
      %dma_start3A_113 = tpu.memref_slice %arg10[%dma_start3A_111, %dma_start3A_112] : memref<10000x128xf32, #tpu.memory_space<vmem_shared>> -> memref<10000x128xf32, #tpu.memory_space<vmem_shared>>
      tpu.enqueue_indirect_dma source(%arg8 : memref<128x128xf32, #tpu.memory_space<vmem>>) target(%dma_start3A_113 : memref<10000x128xf32, #tpu.memory_space<vmem_shared>>) offsets(%dma_start3A_110 : memref<128xi32, #tpu.memory_space<vmem>>) semaphore(%arg13 : memref<!tpu.dma_semaphore, #tpu.memory_space<semaphore_mem>>) {add = true}
      %lt3A = arith.constant 19 : i32
      %lt3A_114 = arith.cmpi slt, %add3A_96, %lt3A : i32
      %convert_element_type3A = arith.extui %lt3A_114 : i1 to i32
      %cond3A = arith.constant 0 : i32
      %cond3A_115 = arith.cmpi ne, %convert_element_type3A, %cond3A : i32
      scf.if %cond3A_115 {
        %dma_wait3A_138 = arith.constant 0 : i32
        %dma_wait3A_139 = arith.constant 0 : i32
        %dma_wait3A_140 = tpu.memref_slice %arg7[%dma_wait3A_138, %dma_wait3A_139] : memref<40x128xi32, #tpu.memory_space<vmem>> -> memref<1x128xi32, #tpu.memory_space<vmem>>
        %dma_wait3A_141 = tpu.memref_squeeze %dma_wait3A_140 : memref<1x128xi32, #tpu.memory_space<vmem>> -> memref<128xi32, #tpu.memory_space<vmem>>
        %dma_wait3A_142 = arith.constant 0 : i32
        %dma_wait3A_143 = arith.constant 0 : i32
        %dma_wait3A_144 = tpu.memref_slice %arg10[%dma_wait3A_142, %dma_wait3A_143] : memref<10000x128xf32, #tpu.memory_space<vmem_shared>> -> memref<10000x128xf32, #tpu.memory_space<vmem_shared>>
        tpu.wait_indirect_dma semaphore(%arg13 : memref<!tpu.dma_semaphore, #tpu.memory_space<semaphore_mem>>) src(%arg8 : memref<128x128xf32, #tpu.memory_space<vmem>>) dst(%dma_wait3A_144 : memref<10000x128xf32, #tpu.memory_space<vmem_shared>>)
        %add3A_145 = arith.constant 2 : i32
        %add3A_146 = arith.addi %add3A_100, %add3A_145 : i32
        %dma_start3A_147 = arith.constant 0 : i32
        %dma_start3A_148 = tpu.memref_slice %arg6[%add3A_146, %dma_start3A_147] : memref<40x128xi32, #tpu.memory_space<vmem>> -> memref<1x128xi32, #tpu.memory_space<vmem>>
        %dma_start3A_149 = tpu.memref_squeeze %dma_start3A_148 : memref<1x128xi32, #tpu.memory_space<vmem>> -> memref<128xi32, #tpu.memory_space<vmem>>
        %dma_start3A_150 = arith.constant 0 : i32
        %dma_start3A_151 = arith.constant 0 : i32
        %dma_start3A_152 = tpu.memref_slice %arg2[%dma_start3A_150, %dma_start3A_151] : memref<10008x128xf32, #tpu.memory_space<hbm>> -> memref<10008x128xf32, #tpu.memory_space<hbm>>
        tpu.enqueue_indirect_dma source(%dma_start3A_152 : memref<10008x128xf32, #tpu.memory_space<hbm>>) target(%arg8 : memref<128x128xf32, #tpu.memory_space<vmem>>) offsets(%dma_start3A_149 : memref<128xi32, #tpu.memory_space<vmem>>) semaphore(%arg11 : memref<!tpu.dma_semaphore, #tpu.memory_space<semaphore_mem>>)
      } else {
      }
      %mul3A_116 = arith.constant 2 : i32
      %mul3A_117 = arith.muli %add3A_96, %mul3A_116 : i32
      %add3A_118 = arith.constant 1 : i32
      %add3A_119 = arith.addi %mul3A_117, %add3A_118 : i32
      %dma_wait3A_120 = arith.constant 0 : i32
      %dma_wait3A_121 = arith.constant 0 : i32
      %dma_wait3A_122 = tpu.memref_slice %arg6[%dma_wait3A_120, %dma_wait3A_121] : memref<40x128xi32, #tpu.memory_space<vmem>> -> memref<1x128xi32, #tpu.memory_space<vmem>>
      %dma_wait3A_123 = tpu.memref_squeeze %dma_wait3A_122 : memref<1x128xi32, #tpu.memory_space<vmem>> -> memref<128xi32, #tpu.memory_space<vmem>>
      %dma_wait3A_124 = arith.constant 0 : i32
      %dma_wait3A_125 = arith.constant 0 : i32
      %dma_wait3A_126 = tpu.memref_slice %arg2[%dma_wait3A_124, %dma_wait3A_125] : memref<10008x128xf32, #tpu.memory_space<hbm>> -> memref<10008x128xf32, #tpu.memory_space<hbm>>
      tpu.wait_indirect_dma semaphore(%arg12 : memref<!tpu.dma_semaphore, #tpu.memory_space<semaphore_mem>>) src(%dma_wait3A_126 : memref<10008x128xf32, #tpu.memory_space<hbm>>) dst(%arg9 : memref<128x128xf32, #tpu.memory_space<vmem>>)
      %dma_start3A_127 = arith.constant 0 : i32
      %dma_start3A_128 = tpu.memref_slice %arg7[%add3A_119, %dma_start3A_127] : memref<40x128xi32, #tpu.memory_space<vmem>> -> memref<1x128xi32, #tpu.memory_space<vmem>>
      %dma_start3A_129 = tpu.memref_squeeze %dma_start3A_128 : memref<1x128xi32, #tpu.memory_space<vmem>> -> memref<128xi32, #tpu.memory_space<vmem>>
      %dma_start3A_130 = arith.constant 0 : i32
      %dma_start3A_131 = arith.constant 0 : i32
      %dma_start3A_132 = tpu.memref_slice %arg10[%dma_start3A_130, %dma_start3A_131] : memref<10000x128xf32, #tpu.memory_space<vmem_shared>> -> memref<10000x128xf32, #tpu.memory_space<vmem_shared>>
      tpu.enqueue_indirect_dma source(%arg9 : memref<128x128xf32, #tpu.memory_space<vmem>>) target(%dma_start3A_132 : memref<10000x128xf32, #tpu.memory_space<vmem_shared>>) offsets(%dma_start3A_129 : memref<128xi32, #tpu.memory_space<vmem>>) semaphore(%arg14 : memref<!tpu.dma_semaphore, #tpu.memory_space<semaphore_mem>>) {add = true}
      %lt3A_133 = arith.constant 19 : i32
      %lt3A_134 = arith.cmpi slt, %add3A_96, %lt3A_133 : i32
      %convert_element_type3A_135 = arith.extui %lt3A_134 : i1 to i32
      %cond3A_136 = arith.constant 0 : i32
      %cond3A_137 = arith.cmpi ne, %convert_element_type3A_135, %cond3A_136 : i32
      scf.if %cond3A_137 {
        %dma_wait3A_138 = arith.constant 0 : i32
        %dma_wait3A_139 = arith.constant 0 : i32
        %dma_wait3A_140 = tpu.memref_slice %arg7[%dma_wait3A_138, %dma_wait3A_139] : memref<40x128xi32, #tpu.memory_space<vmem>> -> memref<1x128xi32, #tpu.memory_space<vmem>>
        %dma_wait3A_141 = tpu.memref_squeeze %dma_wait3A_140 : memref<1x128xi32, #tpu.memory_space<vmem>> -> memref<128xi32, #tpu.memory_space<vmem>>
        %dma_wait3A_142 = arith.constant 0 : i32
        %dma_wait3A_143 = arith.constant 0 : i32
        %dma_wait3A_144 = tpu.memref_slice %arg10[%dma_wait3A_142, %dma_wait3A_143] : memref<10000x128xf32, #tpu.memory_space<vmem_shared>> -> memref<10000x128xf32, #tpu.memory_space<vmem_shared>>
        tpu.wait_indirect_dma semaphore(%arg14 : memref<!tpu.dma_semaphore, #tpu.memory_space<semaphore_mem>>) src(%arg9 : memref<128x128xf32, #tpu.memory_space<vmem>>) dst(%dma_wait3A_144 : memref<10000x128xf32, #tpu.memory_space<vmem_shared>>)
        %add3A_145 = arith.constant 2 : i32
        %add3A_146 = arith.addi %add3A_119, %add3A_145 : i32
        %dma_start3A_147 = arith.constant 0 : i32
        %dma_start3A_148 = tpu.memref_slice %arg6[%add3A_146, %dma_start3A_147] : memref<40x128xi32, #tpu.memory_space<vmem>> -> memref<1x128xi32, #tpu.memory_space<vmem>>
        %dma_start3A_149 = tpu.memref_squeeze %dma_start3A_148 : memref<1x128xi32, #tpu.memory_space<vmem>> -> memref<128xi32, #tpu.memory_space<vmem>>
        %dma_start3A_150 = arith.constant 0 : i32
        %dma_start3A_151 = arith.constant 0 : i32
        %dma_start3A_152 = tpu.memref_slice %arg2[%dma_start3A_150, %dma_start3A_151] : memref<10008x128xf32, #tpu.memory_space<hbm>> -> memref<10008x128xf32, #tpu.memory_space<hbm>>
        tpu.enqueue_indirect_dma source(%dma_start3A_152 : memref<10008x128xf32, #tpu.memory_space<hbm>>) target(%arg9 : memref<128x128xf32, #tpu.memory_space<vmem>>) offsets(%dma_start3A_149 : memref<128xi32, #tpu.memory_space<vmem>>) semaphore(%arg12 : memref<!tpu.dma_semaphore, #tpu.memory_space<semaphore_mem>>)
      } else {
      }
    }
    %scan3A_35 = arith.constant 20 : i32
    %dma_wait3A = arith.constant 0 : i32
    %dma_wait3A_36 = arith.constant 0 : i32
    %dma_wait3A_37 = tpu.memref_slice %arg7[%dma_wait3A, %dma_wait3A_36] : memref<40x128xi32, #tpu.memory_space<vmem>> -> memref<1x128xi32, #tpu.memory_space<vmem>>
    %dma_wait3A_38 = tpu.memref_squeeze %dma_wait3A_37 : memref<1x128xi32, #tpu.memory_space<vmem>> -> memref<128xi32, #tpu.memory_space<vmem>>
    %dma_wait3A_39 = arith.constant 0 : i32
    %dma_wait3A_40 = arith.constant 0 : i32
    %dma_wait3A_41 = tpu.memref_slice %arg10[%dma_wait3A_39, %dma_wait3A_40] : memref<10000x128xf32, #tpu.memory_space<vmem_shared>> -> memref<10000x128xf32, #tpu.memory_space<vmem_shared>>
    tpu.wait_indirect_dma semaphore(%arg13 : memref<!tpu.dma_semaphore, #tpu.memory_space<semaphore_mem>>) src(%arg8 : memref<128x128xf32, #tpu.memory_space<vmem>>) dst(%dma_wait3A_41 : memref<10000x128xf32, #tpu.memory_space<vmem_shared>>)
    %dma_wait3A_42 = arith.constant 0 : i32
    %dma_wait3A_43 = arith.constant 0 : i32
    %dma_wait3A_44 = tpu.memref_slice %arg7[%dma_wait3A_42, %dma_wait3A_43] : memref<40x128xi32, #tpu.memory_space<vmem>> -> memref<1x128xi32, #tpu.memory_space<vmem>>
    %dma_wait3A_45 = tpu.memref_squeeze %dma_wait3A_44 : memref<1x128xi32, #tpu.memory_space<vmem>> -> memref<128xi32, #tpu.memory_space<vmem>>
    %dma_wait3A_46 = arith.constant 0 : i32
    %dma_wait3A_47 = arith.constant 0 : i32
    %dma_wait3A_48 = tpu.memref_slice %arg10[%dma_wait3A_46, %dma_wait3A_47] : memref<10000x128xf32, #tpu.memory_space<vmem_shared>> -> memref<10000x128xf32, #tpu.memory_space<vmem_shared>>
    tpu.wait_indirect_dma semaphore(%arg14 : memref<!tpu.dma_semaphore, #tpu.memory_space<semaphore_mem>>) src(%arg9 : memref<128x128xf32, #tpu.memory_space<vmem>>) dst(%dma_wait3A_48 : memref<10000x128xf32, #tpu.memory_space<vmem_shared>>)
    %mul3A_49 = arith.constant 80 : i32
    %mul3A_50 = arith.muli %add3A, %mul3A_49 : i32
    %add3A_51 = arith.constant 40 : i32
    %add3A_52 = arith.addi %mul3A_50, %add3A_51 : i32
    %multiple_of3A_53 = tpu.assume_multiple %add3A_52, 8 : i32
    "tpu.region"() ({
      %run_scoped3A = tpu.sem_alloc : memref<!tpu.dma_semaphore, #tpu.memory_space<semaphore_mem>>
      %dma_start3A_92 = arith.constant 0 : i32
      %dma_start3A_93 = tpu.memref_slice %arg3[%multiple_of3A_53, %dma_start3A_92] : memref<2560x128xi32, #tpu.memory_space<hbm>> -> memref<40x128xi32, #tpu.memory_space<hbm>>
      %dma_start3A_94 = arith.constant 0 : i32
      %dma_start3A_95 = tpu.memref_slice %arg3[%multiple_of3A_53, %dma_start3A_94] : memref<2560x128xi32, #tpu.memory_space<hbm>> -> memref<40x128xi32, #tpu.memory_space<hbm>>
      tpu.enqueue_dma source(%dma_start3A_95 : memref<40x128xi32, #tpu.memory_space<hbm>>) target(%arg6 : memref<40x128xi32, #tpu.memory_space<vmem>>) target_semaphore(%run_scoped3A : memref<!tpu.dma_semaphore, #tpu.memory_space<semaphore_mem>>)
      %dma_wait3A_96 = arith.constant 0 : i32
      %dma_wait3A_97 = tpu.memref_slice %arg3[%multiple_of3A_53, %dma_wait3A_96] : memref<2560x128xi32, #tpu.memory_space<hbm>> -> memref<40x128xi32, #tpu.memory_space<hbm>>
      %dma_wait3A_98 = arith.constant 0 : i32
      %dma_wait3A_99 = tpu.memref_slice %arg3[%multiple_of3A_53, %dma_wait3A_98] : memref<2560x128xi32, #tpu.memory_space<hbm>> -> memref<40x128xi32, #tpu.memory_space<hbm>>
      tpu.wait_dma2 semaphore(%run_scoped3A : memref<!tpu.dma_semaphore, #tpu.memory_space<semaphore_mem>>) src(%dma_wait3A_99 : memref<40x128xi32, #tpu.memory_space<hbm>>) dst(%arg6 : memref<40x128xi32, #tpu.memory_space<vmem>>)
      tpu.yield
    }) : () -> ()
    "tpu.region"() ({
      %run_scoped3A = tpu.sem_alloc : memref<!tpu.dma_semaphore, #tpu.memory_space<semaphore_mem>>
      %dma_start3A_92 = arith.constant 0 : i32
      %dma_start3A_93 = tpu.memref_slice %arg4[%multiple_of3A_53, %dma_start3A_92] : memref<2560x128xi32, #tpu.memory_space<hbm>> -> memref<40x128xi32, #tpu.memory_space<hbm>>
      %dma_start3A_94 = arith.constant 0 : i32
      %dma_start3A_95 = tpu.memref_slice %arg4[%multiple_of3A_53, %dma_start3A_94] : memref<2560x128xi32, #tpu.memory_space<hbm>> -> memref<40x128xi32, #tpu.memory_space<hbm>>
      tpu.enqueue_dma source(%dma_start3A_95 : memref<40x128xi32, #tpu.memory_space<hbm>>) target(%arg7 : memref<40x128xi32, #tpu.memory_space<vmem>>) target_semaphore(%run_scoped3A : memref<!tpu.dma_semaphore, #tpu.memory_space<semaphore_mem>>)
      %dma_wait3A_96 = arith.constant 0 : i32
      %dma_wait3A_97 = tpu.memref_slice %arg4[%multiple_of3A_53, %dma_wait3A_96] : memref<2560x128xi32, #tpu.memory_space<hbm>> -> memref<40x128xi32, #tpu.memory_space<hbm>>
      %dma_wait3A_98 = arith.constant 0 : i32
      %dma_wait3A_99 = tpu.memref_slice %arg4[%multiple_of3A_53, %dma_wait3A_98] : memref<2560x128xi32, #tpu.memory_space<hbm>> -> memref<40x128xi32, #tpu.memory_space<hbm>>
      tpu.wait_dma2 semaphore(%run_scoped3A : memref<!tpu.dma_semaphore, #tpu.memory_space<semaphore_mem>>) src(%dma_wait3A_99 : memref<40x128xi32, #tpu.memory_space<hbm>>) dst(%arg7 : memref<40x128xi32, #tpu.memory_space<vmem>>)
      tpu.yield
    }) : () -> ()
    %dma_start3A_54 = arith.constant 0 : i32
    %dma_start3A_55 = arith.constant 0 : i32
    %dma_start3A_56 = tpu.memref_slice %arg6[%dma_start3A_54, %dma_start3A_55] : memref<40x128xi32, #tpu.memory_space<vmem>> -> memref<1x128xi32, #tpu.memory_space<vmem>>
    %dma_start3A_57 = tpu.memref_squeeze %dma_start3A_56 : memref<1x128xi32, #tpu.memory_space<vmem>> -> memref<128xi32, #tpu.memory_space<vmem>>
    %dma_start3A_58 = arith.constant 0 : i32
    %dma_start3A_59 = arith.constant 0 : i32
    %dma_start3A_60 = tpu.memref_slice %arg2[%dma_start3A_58, %dma_start3A_59] : memref<10008x128xf32, #tpu.memory_space<hbm>> -> memref<10008x128xf32, #tpu.memory_space<hbm>>
    tpu.enqueue_indirect_dma source(%dma_start3A_60 : memref<10008x128xf32, #tpu.memory_space<hbm>>) target(%arg8 : memref<128x128xf32, #tpu.memory_space<vmem>>) offsets(%dma_start3A_57 : memref<128xi32, #tpu.memory_space<vmem>>) semaphore(%arg11 : memref<!tpu.dma_semaphore, #tpu.memory_space<semaphore_mem>>)
    %dma_start3A_61 = arith.constant 1 : i32
    %dma_start3A_62 = arith.constant 0 : i32
    %dma_start3A_63 = tpu.memref_slice %arg6[%dma_start3A_61, %dma_start3A_62] : memref<40x128xi32, #tpu.memory_space<vmem>> -> memref<1x128xi32, #tpu.memory_space<vmem>>
    %dma_start3A_64 = tpu.memref_squeeze %dma_start3A_63 : memref<1x128xi32, #tpu.memory_space<vmem>> -> memref<128xi32, #tpu.memory_space<vmem>>
    %dma_start3A_65 = arith.constant 0 : i32
    %dma_start3A_66 = arith.constant 0 : i32
    %dma_start3A_67 = tpu.memref_slice %arg2[%dma_start3A_65, %dma_start3A_66] : memref<10008x128xf32, #tpu.memory_space<hbm>> -> memref<10008x128xf32, #tpu.memory_space<hbm>>
    tpu.enqueue_indirect_dma source(%dma_start3A_67 : memref<10008x128xf32, #tpu.memory_space<hbm>>) target(%arg9 : memref<128x128xf32, #tpu.memory_space<vmem>>) offsets(%dma_start3A_64 : memref<128xi32, #tpu.memory_space<vmem>>) semaphore(%arg12 : memref<!tpu.dma_semaphore, #tpu.memory_space<semaphore_mem>>)
    %scan3A_68 = arith.constant 0 : i32
    %scan3A_69 = arith.constant 20 : i32
    %scan3A_70 = arith.addi %scan3A_68, %scan3A_69 : i32
    %scan3A_71 = arith.constant 1 : i32
    scf.for %scan3A_92 = %scan3A_68 to %scan3A_70 step %scan3A_71  : i32 {
      %mul3A_93 = arith.constant 1 : i32
      %mul3A_94 = arith.muli %scan3A_92, %mul3A_93 : i32
      %add3A_95 = arith.constant 0 : i32
      %add3A_96 = arith.addi %add3A_95, %mul3A_94 : i32
      %mul3A_97 = arith.constant 2 : i32
      %mul3A_98 = arith.muli %add3A_96, %mul3A_97 : i32
      %add3A_99 = arith.constant 0 : i32
      %add3A_100 = arith.addi %mul3A_98, %add3A_99 : i32
      %dma_wait3A_101 = arith.constant 0 : i32
      %dma_wait3A_102 = arith.constant 0 : i32
      %dma_wait3A_103 = tpu.memref_slice %arg6[%dma_wait3A_101, %dma_wait3A_102] : memref<40x128xi32, #tpu.memory_space<vmem>> -> memref<1x128xi32, #tpu.memory_space<vmem>>
      %dma_wait3A_104 = tpu.memref_squeeze %dma_wait3A_103 : memref<1x128xi32, #tpu.memory_space<vmem>> -> memref<128xi32, #tpu.memory_space<vmem>>
      %dma_wait3A_105 = arith.constant 0 : i32
      %dma_wait3A_106 = arith.constant 0 : i32
      %dma_wait3A_107 = tpu.memref_slice %arg2[%dma_wait3A_105, %dma_wait3A_106] : memref<10008x128xf32, #tpu.memory_space<hbm>> -> memref<10008x128xf32, #tpu.memory_space<hbm>>
      tpu.wait_indirect_dma semaphore(%arg11 : memref<!tpu.dma_semaphore, #tpu.memory_space<semaphore_mem>>) src(%dma_wait3A_107 : memref<10008x128xf32, #tpu.memory_space<hbm>>) dst(%arg8 : memref<128x128xf32, #tpu.memory_space<vmem>>)
      %dma_start3A_108 = arith.constant 0 : i32
      %dma_start3A_109 = tpu.memref_slice %arg7[%add3A_100, %dma_start3A_108] : memref<40x128xi32, #tpu.memory_space<vmem>> -> memref<1x128xi32, #tpu.memory_space<vmem>>
      %dma_start3A_110 = tpu.memref_squeeze %dma_start3A_109 : memref<1x128xi32, #tpu.memory_space<vmem>> -> memref<128xi32, #tpu.memory_space<vmem>>
      %dma_start3A_111 = arith.constant 0 : i32
      %dma_start3A_112 = arith.constant 0 : i32
      %dma_start3A_113 = tpu.memref_slice %arg10[%dma_start3A_111, %dma_start3A_112] : memref<10000x128xf32, #tpu.memory_space<vmem_shared>> -> memref<10000x128xf32, #tpu.memory_space<vmem_shared>>
      tpu.enqueue_indirect_dma source(%arg8 : memref<128x128xf32, #tpu.memory_space<vmem>>) target(%dma_start3A_113 : memref<10000x128xf32, #tpu.memory_space<vmem_shared>>) offsets(%dma_start3A_110 : memref<128xi32, #tpu.memory_space<vmem>>) semaphore(%arg13 : memref<!tpu.dma_semaphore, #tpu.memory_space<semaphore_mem>>) {add = true}
      %lt3A = arith.constant 19 : i32
      %lt3A_114 = arith.cmpi slt, %add3A_96, %lt3A : i32
      %convert_element_type3A = arith.extui %lt3A_114 : i1 to i32
      %cond3A = arith.constant 0 : i32
      %cond3A_115 = arith.cmpi ne, %convert_element_type3A, %cond3A : i32
      scf.if %cond3A_115 {
        %dma_wait3A_138 = arith.constant 0 : i32
        %dma_wait3A_139 = arith.constant 0 : i32
        %dma_wait3A_140 = tpu.memref_slice %arg7[%dma_wait3A_138, %dma_wait3A_139] : memref<40x128xi32, #tpu.memory_space<vmem>> -> memref<1x128xi32, #tpu.memory_space<vmem>>
        %dma_wait3A_141 = tpu.memref_squeeze %dma_wait3A_140 : memref<1x128xi32, #tpu.memory_space<vmem>> -> memref<128xi32, #tpu.memory_space<vmem>>
        %dma_wait3A_142 = arith.constant 0 : i32
        %dma_wait3A_143 = arith.constant 0 : i32
        %dma_wait3A_144 = tpu.memref_slice %arg10[%dma_wait3A_142, %dma_wait3A_143] : memref<10000x128xf32, #tpu.memory_space<vmem_shared>> -> memref<10000x128xf32, #tpu.memory_space<vmem_shared>>
        tpu.wait_indirect_dma semaphore(%arg13 : memref<!tpu.dma_semaphore, #tpu.memory_space<semaphore_mem>>) src(%arg8 : memref<128x128xf32, #tpu.memory_space<vmem>>) dst(%dma_wait3A_144 : memref<10000x128xf32, #tpu.memory_space<vmem_shared>>)
        %add3A_145 = arith.constant 2 : i32
        %add3A_146 = arith.addi %add3A_100, %add3A_145 : i32
        %dma_start3A_147 = arith.constant 0 : i32
        %dma_start3A_148 = tpu.memref_slice %arg6[%add3A_146, %dma_start3A_147] : memref<40x128xi32, #tpu.memory_space<vmem>> -> memref<1x128xi32, #tpu.memory_space<vmem>>
        %dma_start3A_149 = tpu.memref_squeeze %dma_start3A_148 : memref<1x128xi32, #tpu.memory_space<vmem>> -> memref<128xi32, #tpu.memory_space<vmem>>
        %dma_start3A_150 = arith.constant 0 : i32
        %dma_start3A_151 = arith.constant 0 : i32
        %dma_start3A_152 = tpu.memref_slice %arg2[%dma_start3A_150, %dma_start3A_151] : memref<10008x128xf32, #tpu.memory_space<hbm>> -> memref<10008x128xf32, #tpu.memory_space<hbm>>
        tpu.enqueue_indirect_dma source(%dma_start3A_152 : memref<10008x128xf32, #tpu.memory_space<hbm>>) target(%arg8 : memref<128x128xf32, #tpu.memory_space<vmem>>) offsets(%dma_start3A_149 : memref<128xi32, #tpu.memory_space<vmem>>) semaphore(%arg11 : memref<!tpu.dma_semaphore, #tpu.memory_space<semaphore_mem>>)
      } else {
      }
      %mul3A_116 = arith.constant 2 : i32
      %mul3A_117 = arith.muli %add3A_96, %mul3A_116 : i32
      %add3A_118 = arith.constant 1 : i32
      %add3A_119 = arith.addi %mul3A_117, %add3A_118 : i32
      %dma_wait3A_120 = arith.constant 0 : i32
      %dma_wait3A_121 = arith.constant 0 : i32
      %dma_wait3A_122 = tpu.memref_slice %arg6[%dma_wait3A_120, %dma_wait3A_121] : memref<40x128xi32, #tpu.memory_space<vmem>> -> memref<1x128xi32, #tpu.memory_space<vmem>>
      %dma_wait3A_123 = tpu.memref_squeeze %dma_wait3A_122 : memref<1x128xi32, #tpu.memory_space<vmem>> -> memref<128xi32, #tpu.memory_space<vmem>>
      %dma_wait3A_124 = arith.constant 0 : i32
      %dma_wait3A_125 = arith.constant 0 : i32
      %dma_wait3A_126 = tpu.memref_slice %arg2[%dma_wait3A_124, %dma_wait3A_125] : memref<10008x128xf32, #tpu.memory_space<hbm>> -> memref<10008x128xf32, #tpu.memory_space<hbm>>
      tpu.wait_indirect_dma semaphore(%arg12 : memref<!tpu.dma_semaphore, #tpu.memory_space<semaphore_mem>>) src(%dma_wait3A_126 : memref<10008x128xf32, #tpu.memory_space<hbm>>) dst(%arg9 : memref<128x128xf32, #tpu.memory_space<vmem>>)
      %dma_start3A_127 = arith.constant 0 : i32
      %dma_start3A_128 = tpu.memref_slice %arg7[%add3A_119, %dma_start3A_127] : memref<40x128xi32, #tpu.memory_space<vmem>> -> memref<1x128xi32, #tpu.memory_space<vmem>>
      %dma_start3A_129 = tpu.memref_squeeze %dma_start3A_128 : memref<1x128xi32, #tpu.memory_space<vmem>> -> memref<128xi32, #tpu.memory_space<vmem>>
      %dma_start3A_130 = arith.constant 0 : i32
      %dma_start3A_131 = arith.constant 0 : i32
      %dma_start3A_132 = tpu.memref_slice %arg10[%dma_start3A_130, %dma_start3A_131] : memref<10000x128xf32, #tpu.memory_space<vmem_shared>> -> memref<10000x128xf32, #tpu.memory_space<vmem_shared>>
      tpu.enqueue_indirect_dma source(%arg9 : memref<128x128xf32, #tpu.memory_space<vmem>>) target(%dma_start3A_132 : memref<10000x128xf32, #tpu.memory_space<vmem_shared>>) offsets(%dma_start3A_129 : memref<128xi32, #tpu.memory_space<vmem>>) semaphore(%arg14 : memref<!tpu.dma_semaphore, #tpu.memory_space<semaphore_mem>>) {add = true}
      %lt3A_133 = arith.constant 19 : i32
      %lt3A_134 = arith.cmpi slt, %add3A_96, %lt3A_133 : i32
      %convert_element_type3A_135 = arith.extui %lt3A_134 : i1 to i32
      %cond3A_136 = arith.constant 0 : i32
      %cond3A_137 = arith.cmpi ne, %convert_element_type3A_135, %cond3A_136 : i32
      scf.if %cond3A_137 {
        %dma_wait3A_138 = arith.constant 0 : i32
        %dma_wait3A_139 = arith.constant 0 : i32
        %dma_wait3A_140 = tpu.memref_slice %arg7[%dma_wait3A_138, %dma_wait3A_139] : memref<40x128xi32, #tpu.memory_space<vmem>> -> memref<1x128xi32, #tpu.memory_space<vmem>>
        %dma_wait3A_141 = tpu.memref_squeeze %dma_wait3A_140 : memref<1x128xi32, #tpu.memory_space<vmem>> -> memref<128xi32, #tpu.memory_space<vmem>>
        %dma_wait3A_142 = arith.constant 0 : i32
        %dma_wait3A_143 = arith.constant 0 : i32
        %dma_wait3A_144 = tpu.memref_slice %arg10[%dma_wait3A_142, %dma_wait3A_143] : memref<10000x128xf32, #tpu.memory_space<vmem_shared>> -> memref<10000x128xf32, #tpu.memory_space<vmem_shared>>
        tpu.wait_indirect_dma semaphore(%arg14 : memref<!tpu.dma_semaphore, #tpu.memory_space<semaphore_mem>>) src(%arg9 : memref<128x128xf32, #tpu.memory_space<vmem>>) dst(%dma_wait3A_144 : memref<10000x128xf32, #tpu.memory_space<vmem_shared>>)
        %add3A_145 = arith.constant 2 : i32
        %add3A_146 = arith.addi %add3A_119, %add3A_145 : i32
        %dma_start3A_147 = arith.constant 0 : i32
        %dma_start3A_148 = tpu.memref_slice %arg6[%add3A_146, %dma_start3A_147] : memref<40x128xi32, #tpu.memory_space<vmem>> -> memref<1x128xi32, #tpu.memory_space<vmem>>
        %dma_start3A_149 = tpu.memref_squeeze %dma_start3A_148 : memref<1x128xi32, #tpu.memory_space<vmem>> -> memref<128xi32, #tpu.memory_space<vmem>>
        %dma_start3A_150 = arith.constant 0 : i32
        %dma_start3A_151 = arith.constant 0 : i32
        %dma_start3A_152 = tpu.memref_slice %arg2[%dma_start3A_150, %dma_start3A_151] : memref<10008x128xf32, #tpu.memory_space<hbm>> -> memref<10008x128xf32, #tpu.memory_space<hbm>>
        tpu.enqueue_indirect_dma source(%dma_start3A_152 : memref<10008x128xf32, #tpu.memory_space<hbm>>) target(%arg9 : memref<128x128xf32, #tpu.memory_space<vmem>>) offsets(%dma_start3A_149 : memref<128xi32, #tpu.memory_space<vmem>>) semaphore(%arg12 : memref<!tpu.dma_semaphore, #tpu.memory_space<semaphore_mem>>)
      } else {
      }
    }
    %scan3A_72 = arith.constant 20 : i32
    %dma_wait3A_73 = arith.constant 0 : i32
    %dma_wait3A_74 = arith.constant 0 : i32
    %dma_wait3A_75 = tpu.memref_slice %arg7[%dma_wait3A_73, %dma_wait3A_74] : memref<40x128xi32, #tpu.memory_space<vmem>> -> memref<1x128xi32, #tpu.memory_space<vmem>>
    %dma_wait3A_76 = tpu.memref_squeeze %dma_wait3A_75 : memref<1x128xi32, #tpu.memory_space<vmem>> -> memref<128xi32, #tpu.memory_space<vmem>>
    %dma_wait3A_77 = arith.constant 0 : i32
    %dma_wait3A_78 = arith.constant 0 : i32
    %dma_wait3A_79 = tpu.memref_slice %arg10[%dma_wait3A_77, %dma_wait3A_78] : memref<10000x128xf32, #tpu.memory_space<vmem_shared>> -> memref<10000x128xf32, #tpu.memory_space<vmem_shared>>
    tpu.wait_indirect_dma semaphore(%arg13 : memref<!tpu.dma_semaphore, #tpu.memory_space<semaphore_mem>>) src(%arg8 : memref<128x128xf32, #tpu.memory_space<vmem>>) dst(%dma_wait3A_79 : memref<10000x128xf32, #tpu.memory_space<vmem_shared>>)
    %dma_wait3A_80 = arith.constant 0 : i32
    %dma_wait3A_81 = arith.constant 0 : i32
    %dma_wait3A_82 = tpu.memref_slice %arg7[%dma_wait3A_80, %dma_wait3A_81] : memref<40x128xi32, #tpu.memory_space<vmem>> -> memref<1x128xi32, #tpu.memory_space<vmem>>
    %dma_wait3A_83 = tpu.memref_squeeze %dma_wait3A_82 : memref<1x128xi32, #tpu.memory_space<vmem>> -> memref<128xi32, #tpu.memory_space<vmem>>
    %dma_wait3A_84 = arith.constant 0 : i32
    %dma_wait3A_85 = arith.constant 0 : i32
    %dma_wait3A_86 = tpu.memref_slice %arg10[%dma_wait3A_84, %dma_wait3A_85] : memref<10000x128xf32, #tpu.memory_space<vmem_shared>> -> memref<10000x128xf32, #tpu.memory_space<vmem_shared>>
    tpu.wait_indirect_dma semaphore(%arg14 : memref<!tpu.dma_semaphore, #tpu.memory_space<semaphore_mem>>) src(%arg9 : memref<128x128xf32, #tpu.memory_space<vmem>>) dst(%dma_wait3A_86 : memref<10000x128xf32, #tpu.memory_space<vmem_shared>>)
    %barrier3A_87 = arith.constant 0 : index
    tpu.barrier barrier_id(%barrier3A_87)
    %mul3A_88 = arith.constant 10000 : i32
    %mul3A_89 = arith.muli %arg0, %mul3A_88 : i32
    %add3A_90 = arith.addi %mul3A_89, %multiple_of3A : i32
    %multiple_of3A_91 = tpu.assume_multiple %add3A_90, 8 : i32
    "tpu.region"() ({
      %run_scoped3A = tpu.sem_alloc : memref<!tpu.dma_semaphore, #tpu.memory_space<semaphore_mem>>
      %dma_start3A_92 = arith.constant 0 : i32
      %dma_start3A_93 = tpu.memref_slice %arg5[%multiple_of3A_91, %dma_start3A_92] : memref<20000x128xf32, #tpu.memory_space<hbm>> -> memref<640x128xf32, #tpu.memory_space<hbm>>
      %dma_start3A_94 = arith.constant 0 : i32
      %dma_start3A_95 = tpu.memref_slice %arg10[%multiple_of3A, %dma_start3A_94] : memref<10000x128xf32, #tpu.memory_space<vmem_shared>> -> memref<640x128xf32, #tpu.memory_space<vmem_shared>>
      tpu.enqueue_dma source(%dma_start3A_95 : memref<640x128xf32, #tpu.memory_space<vmem_shared>>) target(%dma_start3A_93 : memref<640x128xf32, #tpu.memory_space<hbm>>) target_semaphore(%run_scoped3A : memref<!tpu.dma_semaphore, #tpu.memory_space<semaphore_mem>>)
      %dma_wait3A_96 = arith.constant 0 : i32
      %dma_wait3A_97 = tpu.memref_slice %arg5[%multiple_of3A_91, %dma_wait3A_96] : memref<20000x128xf32, #tpu.memory_space<hbm>> -> memref<640x128xf32, #tpu.memory_space<hbm>>
      %dma_wait3A_98 = arith.constant 0 : i32
      %dma_wait3A_99 = tpu.memref_slice %arg10[%multiple_of3A, %dma_wait3A_98] : memref<10000x128xf32, #tpu.memory_space<vmem_shared>> -> memref<640x128xf32, #tpu.memory_space<vmem_shared>>
      tpu.wait_dma2 semaphore(%run_scoped3A : memref<!tpu.dma_semaphore, #tpu.memory_space<semaphore_mem>>) src(%dma_wait3A_99 : memref<640x128xf32, #tpu.memory_space<vmem_shared>>) dst(%dma_wait3A_97 : memref<640x128xf32, #tpu.memory_space<hbm>>)
      tpu.yield
    }) : () -> ()
    return
  }
}

#map = affine_map<(d0, d1) -> (0, 0)>
module attributes {stable_mosaic.version = 14 : i64} {
  func.func @body(%arg0: i32, %arg1: i32, %arg2: memref<2560x128xi32, #tpu.memory_space<hbm>>, %arg3: memref<256x128xf32, #tpu.memory_space<hbm>>, %arg4: memref<128xf32, #tpu.memory_space<vmem>>, %arg5: memref<80x128xi32, #tpu.memory_space<vmem>>, %arg6: memref<1024xf32, #tpu.memory_space<vmem>>, %arg7: memref<8x128xf32, #tpu.memory_space<vmem>>, %arg8: memref<16384xf32, #tpu.memory_space<vmem_shared>>, %arg9: memref<!tpu.dma_semaphore, #tpu.memory_space<semaphore_mem>>) attributes {dimension_semantics = [#tpu.dimension_semantics<core_parallel>, #tpu.dimension_semantics<subcore_parallel>], iteration_bounds = array<i64: 2, 16>, scalar_prefetch = 0 : i64, scratch_operands = 6 : i64, tpu.core_type = #tpu.core_type<sc_vector_subcore>, window_params = [{transform_indices = #map}, {transform_indices = #map}]} {
    %mul3A = arith.constant 16 : i32
    %mul3A_0 = arith.muli %arg0, %mul3A : i32
    %add3A = arith.addi %mul3A_0, %arg1 : i32
    %mul3A_1 = arith.constant 1024 : i32
    %mul3A_2 = arith.muli %arg1, %mul3A_1 : i32
    %multiple_of3A = tpu.assume_multiple %mul3A_2, 8 : i32
    %mul3A_3 = arith.constant 80 : i32
    %mul3A_4 = arith.muli %add3A, %mul3A_3 : i32
    %multiple_of3A_5 = tpu.assume_multiple %mul3A_4, 8 : i32
    "tpu.region"() ({
      %run_scoped3A = tpu.sem_alloc : memref<!tpu.dma_semaphore, #tpu.memory_space<semaphore_mem>>
      %dma_start3A = arith.constant 0 : i32
      %dma_start3A_53 = tpu.memref_slice %arg2[%multiple_of3A_5, %dma_start3A] : memref<2560x128xi32, #tpu.memory_space<hbm>> -> memref<80x128xi32, #tpu.memory_space<hbm>>
      %dma_start3A_54 = arith.constant 0 : i32
      %dma_start3A_55 = tpu.memref_slice %arg2[%multiple_of3A_5, %dma_start3A_54] : memref<2560x128xi32, #tpu.memory_space<hbm>> -> memref<80x128xi32, #tpu.memory_space<hbm>>
      tpu.enqueue_dma source(%dma_start3A_55 : memref<80x128xi32, #tpu.memory_space<hbm>>) target(%arg5 : memref<80x128xi32, #tpu.memory_space<vmem>>) target_semaphore(%run_scoped3A : memref<!tpu.dma_semaphore, #tpu.memory_space<semaphore_mem>>)
      %dma_wait3A = arith.constant 0 : i32
      %dma_wait3A_56 = tpu.memref_slice %arg2[%multiple_of3A_5, %dma_wait3A] : memref<2560x128xi32, #tpu.memory_space<hbm>> -> memref<80x128xi32, #tpu.memory_space<hbm>>
      %dma_wait3A_57 = arith.constant 0 : i32
      %dma_wait3A_58 = tpu.memref_slice %arg2[%multiple_of3A_5, %dma_wait3A_57] : memref<2560x128xi32, #tpu.memory_space<hbm>> -> memref<80x128xi32, #tpu.memory_space<hbm>>
      tpu.wait_dma2 semaphore(%run_scoped3A : memref<!tpu.dma_semaphore, #tpu.memory_space<semaphore_mem>>) src(%dma_wait3A_58 : memref<80x128xi32, #tpu.memory_space<hbm>>) dst(%arg5 : memref<80x128xi32, #tpu.memory_space<vmem>>)
      tpu.yield
    }) : () -> ()
    %scan3A = arith.constant 0 : i32
    %scan3A_6 = arith.constant 64 : i32
    %scan3A_7 = arith.addi %scan3A, %scan3A_6 : i32
    %scan3A_8 = arith.constant 1 : i32
    scf.for %scan3A_53 = %scan3A to %scan3A_7 step %scan3A_8  : i32 {
      %mul3A_54 = arith.constant 16 : i32
      %mul3A_55 = arith.muli %scan3A_53, %mul3A_54 : i32
      %add3A_56 = arith.constant 0 : i32
      %add3A_57 = arith.addi %add3A_56, %mul3A_55 : i32
      %broadcast_in_dim3A = arith.constant 0.000000e+00 : f32
      %broadcast_in_dim3A_58 = vector.broadcast %broadcast_in_dim3A : f32 to vector<16xf32>
      %swap3A = arith.index_cast %add3A_57 : i32 to index
      %swap3A_59 = tpu.vector_load %arg6[%swap3A] {strides = array<i32>} : memref<1024xf32, #tpu.memory_space<vmem>>, vector<16xf32>,
      %swap3A_60 = vector.shape_cast %swap3A_59 : vector<16xf32> to vector<16xf32>
      %swap3A_61 = vector.shape_cast %broadcast_in_dim3A_58 : vector<16xf32> to vector<16xf32>
      tpu.vector_store %arg6[%swap3A], %swap3A_61 {strides = array<i32>} : memref<1024xf32, #tpu.memory_space<vmem>>, vector<16xf32>,
    }
    %scan3A_9 = arith.constant 64 : i32
    %scan3A_10 = arith.constant 0 : i32
    %scan3A_11 = arith.constant 8 : i32
    %scan3A_12 = arith.addi %scan3A_10, %scan3A_11 : i32
    %scan3A_13 = arith.constant 1 : i32
    scf.for %scan3A_53 = %scan3A_10 to %scan3A_12 step %scan3A_13  : i32 {
      %mul3A_54 = arith.constant 16 : i32
      %mul3A_55 = arith.muli %scan3A_53, %mul3A_54 : i32
      %add3A_56 = arith.constant 0 : i32
      %add3A_57 = arith.addi %add3A_56, %mul3A_55 : i32
      %broadcast_in_dim3A = arith.constant 1.000000e+00 : f32
      %broadcast_in_dim3A_58 = vector.broadcast %broadcast_in_dim3A : f32 to vector<16xf32>
      %swap3A = arith.index_cast %add3A_57 : i32 to index
      %swap3A_59 = tpu.vector_load %arg4[%swap3A] {strides = array<i32>} : memref<128xf32, #tpu.memory_space<vmem>>, vector<16xf32>,
      %swap3A_60 = vector.shape_cast %swap3A_59 : vector<16xf32> to vector<16xf32>
      %swap3A_61 = vector.shape_cast %broadcast_in_dim3A_58 : vector<16xf32> to vector<16xf32>
      tpu.vector_store %arg4[%swap3A], %swap3A_61 {strides = array<i32>} : memref<128xf32, #tpu.memory_space<vmem>>, vector<16xf32>,
    }
    %scan3A_14 = arith.constant 8 : i32
    "tpu.region"() ({
      %run_scoped3A = tpu.sem_alloc : memref<!tpu.dma_semaphore, #tpu.memory_space<semaphore_mem>>
      %dma_start3A = tpu.memref_slice %arg8[%multiple_of3A] : memref<16384xf32, #tpu.memory_space<vmem_shared>> -> memref<1024xf32, #tpu.memory_space<vmem_shared>>
      %dma_start3A_53 = tpu.memref_slice %arg8[%multiple_of3A] : memref<16384xf32, #tpu.memory_space<vmem_shared>> -> memref<1024xf32, #tpu.memory_space<vmem_shared>>
      tpu.enqueue_dma source(%arg6 : memref<1024xf32, #tpu.memory_space<vmem>>) target(%dma_start3A_53 : memref<1024xf32, #tpu.memory_space<vmem_shared>>) target_semaphore(%run_scoped3A : memref<!tpu.dma_semaphore, #tpu.memory_space<semaphore_mem>>)
      %dma_wait3A = tpu.memref_slice %arg8[%multiple_of3A] : memref<16384xf32, #tpu.memory_space<vmem_shared>> -> memref<1024xf32, #tpu.memory_space<vmem_shared>>
      %dma_wait3A_54 = tpu.memref_slice %arg8[%multiple_of3A] : memref<16384xf32, #tpu.memory_space<vmem_shared>> -> memref<1024xf32, #tpu.memory_space<vmem_shared>>
      tpu.wait_dma2 semaphore(%run_scoped3A : memref<!tpu.dma_semaphore, #tpu.memory_space<semaphore_mem>>) src(%arg6 : memref<1024xf32, #tpu.memory_space<vmem>>) dst(%dma_wait3A_54 : memref<1024xf32, #tpu.memory_space<vmem_shared>>)
      tpu.yield
    }) : () -> ()
    %barrier3A = arith.constant 0 : index
    tpu.barrier barrier_id(%barrier3A)
    %scan3A_15 = arith.constant 0 : i32
    %scan3A_16 = arith.constant 80 : i32
    %scan3A_17 = arith.addi %scan3A_15, %scan3A_16 : i32
    %scan3A_18 = arith.constant 1 : i32
    scf.for %scan3A_53 = %scan3A_15 to %scan3A_17 step %scan3A_18  : i32 {
      %mul3A_54 = arith.constant 1 : i32
      %mul3A_55 = arith.muli %scan3A_53, %mul3A_54 : i32
      %add3A_56 = arith.constant 0 : i32
      %add3A_57 = arith.addi %add3A_56, %mul3A_55 : i32
      %dma_start3A = arith.constant 0 : i32
      %dma_start3A_58 = tpu.memref_slice %arg5[%add3A_57, %dma_start3A] : memref<80x128xi32, #tpu.memory_space<vmem>> -> memref<1x128xi32, #tpu.memory_space<vmem>>
      %dma_start3A_59 = tpu.memref_squeeze %dma_start3A_58 : memref<1x128xi32, #tpu.memory_space<vmem>> -> memref<128xi32, #tpu.memory_space<vmem>>
      %dma_start3A_60 = arith.constant 0 : i32
      %dma_start3A_61 = tpu.memref_slice %arg8[%dma_start3A_60] : memref<16384xf32, #tpu.memory_space<vmem_shared>> -> memref<16384xf32, #tpu.memory_space<vmem_shared>>
      tpu.enqueue_indirect_dma source(%arg4 : memref<128xf32, #tpu.memory_space<vmem>>) target(%dma_start3A_61 : memref<16384xf32, #tpu.memory_space<vmem_shared>>) offsets(%dma_start3A_59 : memref<128xi32, #tpu.memory_space<vmem>>) semaphore(%arg9 : memref<!tpu.dma_semaphore, #tpu.memory_space<semaphore_mem>>) {add = true}
    }
    %scan3A_19 = arith.constant 80 : i32
    %scan3A_20 = arith.constant 0 : i32
    %scan3A_21 = arith.constant 80 : i32
    %scan3A_22 = arith.addi %scan3A_20, %scan3A_21 : i32
    %scan3A_23 = arith.constant 1 : i32
    scf.for %scan3A_53 = %scan3A_20 to %scan3A_22 step %scan3A_23  : i32 {
      %mul3A_54 = arith.constant 1 : i32
      %mul3A_55 = arith.muli %scan3A_53, %mul3A_54 : i32
      %add3A_56 = arith.constant 0 : i32
      %add3A_57 = arith.addi %add3A_56, %mul3A_55 : i32
      %dma_wait3A = arith.constant 0 : i32
      %dma_wait3A_58 = arith.constant 0 : i32
      %dma_wait3A_59 = tpu.memref_slice %arg5[%dma_wait3A, %dma_wait3A_58] : memref<80x128xi32, #tpu.memory_space<vmem>> -> memref<1x128xi32, #tpu.memory_space<vmem>>
      %dma_wait3A_60 = tpu.memref_squeeze %dma_wait3A_59 : memref<1x128xi32, #tpu.memory_space<vmem>> -> memref<128xi32, #tpu.memory_space<vmem>>
      %dma_wait3A_61 = arith.constant 0 : i32
      %dma_wait3A_62 = tpu.memref_slice %arg8[%dma_wait3A_61] : memref<16384xf32, #tpu.memory_space<vmem_shared>> -> memref<16384xf32, #tpu.memory_space<vmem_shared>>
      tpu.wait_indirect_dma semaphore(%arg9 : memref<!tpu.dma_semaphore, #tpu.memory_space<semaphore_mem>>) src(%arg4 : memref<128xf32, #tpu.memory_space<vmem>>) dst(%dma_wait3A_62 : memref<16384xf32, #tpu.memory_space<vmem_shared>>)
    }
    %scan3A_24 = arith.constant 80 : i32
    %barrier3A_25 = arith.constant 0 : index
    tpu.barrier barrier_id(%barrier3A_25)
    "tpu.region"() ({
      %run_scoped3A = tpu.sem_alloc : memref<!tpu.dma_semaphore, #tpu.memory_space<semaphore_mem>>
      %dma_start3A = tpu.memref_slice %arg8[%multiple_of3A] : memref<16384xf32, #tpu.memory_space<vmem_shared>> -> memref<1024xf32, #tpu.memory_space<vmem_shared>>
      %dma_start3A_53 = tpu.memref_slice %arg8[%multiple_of3A] : memref<16384xf32, #tpu.memory_space<vmem_shared>> -> memref<1024xf32, #tpu.memory_space<vmem_shared>>
      tpu.enqueue_dma source(%dma_start3A_53 : memref<1024xf32, #tpu.memory_space<vmem_shared>>) target(%arg6 : memref<1024xf32, #tpu.memory_space<vmem>>) target_semaphore(%run_scoped3A : memref<!tpu.dma_semaphore, #tpu.memory_space<semaphore_mem>>)
      %dma_wait3A = tpu.memref_slice %arg8[%multiple_of3A] : memref<16384xf32, #tpu.memory_space<vmem_shared>> -> memref<1024xf32, #tpu.memory_space<vmem_shared>>
      %dma_wait3A_54 = tpu.memref_slice %arg8[%multiple_of3A] : memref<16384xf32, #tpu.memory_space<vmem_shared>> -> memref<1024xf32, #tpu.memory_space<vmem_shared>>
      tpu.wait_dma2 semaphore(%run_scoped3A : memref<!tpu.dma_semaphore, #tpu.memory_space<semaphore_mem>>) src(%dma_wait3A_54 : memref<1024xf32, #tpu.memory_space<vmem_shared>>) dst(%arg6 : memref<1024xf32, #tpu.memory_space<vmem>>)
      tpu.yield
    }) : () -> ()
    %scan3A_26 = arith.constant 0 : i32
    %scan3A_27 = arith.constant 8 : i32
    %scan3A_28 = arith.addi %scan3A_26, %scan3A_27 : i32
    %scan3A_29 = arith.constant 1 : i32
    scf.for %scan3A_53 = %scan3A_26 to %scan3A_28 step %scan3A_29  : i32 {
      %mul3A_54 = arith.constant 1 : i32
      %mul3A_55 = arith.muli %scan3A_53, %mul3A_54 : i32
      %add3A_56 = arith.constant 0 : i32
      %add3A_57 = arith.addi %add3A_56, %mul3A_55 : i32
      %scan3A_58 = arith.constant 0 : i32
      %scan3A_59 = arith.constant 8 : i32
      %scan3A_60 = arith.addi %scan3A_58, %scan3A_59 : i32
      %scan3A_61 = arith.constant 1 : i32
      scf.for %scan3A_63 = %scan3A_58 to %scan3A_60 step %scan3A_61  : i32 {
        %mul3A_64 = arith.constant 16 : i32
        %mul3A_65 = arith.muli %scan3A_63, %mul3A_64 : i32
        %add3A_66 = arith.constant 0 : i32
        %add3A_67 = arith.addi %add3A_66, %mul3A_65 : i32
        %mul3A_68 = arith.constant 128 : i32
        %mul3A_69 = arith.muli %add3A_57, %mul3A_68 : i32
        %add3A_70 = arith.addi %mul3A_69, %add3A_67 : i32
        %get3A = arith.index_cast %add3A_70 : i32 to index
        %get3A_71 = tpu.vector_load %arg6[%get3A] {strides = array<i32>} : memref<1024xf32, #tpu.memory_space<vmem>>, vector<16xf32>,
        %get3A_72 = vector.shape_cast %get3A_71 : vector<16xf32> to vector<16xf32>
        %swap3A = arith.index_cast %add3A_57 : i32 to index
        %swap3A_73 = arith.index_cast %add3A_67 : i32 to index
        %swap3A_74 = tpu.vector_load %arg7[%swap3A, %swap3A_73] {strides = array<i32>} : memref<8x128xf32, #tpu.memory_space<vmem>>, vector<1x16xf32>,
        %swap3A_75 = vector.shape_cast %swap3A_74 : vector<1x16xf32> to vector<16xf32>
        %swap3A_76 = vector.shape_cast %get3A_72 : vector<16xf32> to vector<1x16xf32>
        tpu.vector_store %arg7[%swap3A, %swap3A_73], %swap3A_76 {strides = array<i32>} : memref<8x128xf32, #tpu.memory_space<vmem>>, vector<1x16xf32>,
      }
      %scan3A_62 = arith.constant 8 : i32
    }
    %scan3A_30 = arith.constant 8 : i32
    %mul3A_31 = arith.constant 16384 : i32
    %mul3A_32 = arith.muli %arg0, %mul3A_31 : i32
    %mul3A_33 = arith.constant 1024 : i32
    %mul3A_34 = arith.muli %arg1, %mul3A_33 : i32
    %add3A_35 = arith.addi %mul3A_32, %mul3A_34 : i32
    %jit3A = arith.constant 128 : i32
    %div3A = arith.divsi %add3A_35, %jit3A : i32
    %sign3A = arith.constant 0 : i32
    %sign3A_36 = arith.cmpi sgt, %add3A_35, %sign3A : i32
    %sign3A_37 = arith.extui %sign3A_36 : i1 to i32
    %sign3A_38 = arith.constant 0 : i32
    %sign3A_39 = arith.cmpi slt, %add3A_35, %sign3A_38 : i32
    %sign3A_40 = arith.extui %sign3A_39 : i1 to i32
    %sign3A_41 = arith.subi %sign3A_37, %sign3A_40 : i32
    %sign3A_42 = arith.constant 0 : i32
    %sign3A_43 = arith.cmpi sgt, %jit3A, %sign3A_42 : i32
    %sign3A_44 = arith.extui %sign3A_43 : i1 to i32
    %sign3A_45 = arith.constant 0 : i32
    %sign3A_46 = arith.cmpi slt, %jit3A, %sign3A_45 : i32
    %sign3A_47 = arith.extui %sign3A_46 : i1 to i32
    %sign3A_48 = arith.subi %sign3A_44, %sign3A_47 : i32
    %ne3A = arith.cmpi ne, %sign3A_41, %sign3A_48 : i32
    %rem3A = arith.remsi %add3A_35, %jit3A : i32
    %ne3A_49 = arith.constant 0 : i32
    %ne3A_50 = arith.cmpi ne, %rem3A, %ne3A_49 : i32
    %and3A = arith.andi %ne3A, %ne3A_50 : i1
    %sub3A = arith.constant 1 : i32
    %sub3A_51 = arith.subi %div3A, %sub3A : i32
    %select_n3A = arith.select %and3A, %sub3A_51, %div3A : i32
    %multiple_of3A_52 = tpu.assume_multiple %select_n3A, 8 : i32
    "tpu.region"() ({
      %run_scoped3A = tpu.sem_alloc : memref<!tpu.dma_semaphore, #tpu.memory_space<semaphore_mem>>
      %dma_start3A = arith.constant 0 : i32
      %dma_start3A_53 = tpu.memref_slice %arg3[%multiple_of3A_52, %dma_start3A] : memref<256x128xf32, #tpu.memory_space<hbm>> -> memref<8x128xf32, #tpu.memory_space<hbm>>
      %dma_start3A_54 = arith.constant 0 : i32
      %dma_start3A_55 = tpu.memref_slice %arg3[%multiple_of3A_52, %dma_start3A_54] : memref<256x128xf32, #tpu.memory_space<hbm>> -> memref<8x128xf32, #tpu.memory_space<hbm>>
      tpu.enqueue_dma source(%arg7 : memref<8x128xf32, #tpu.memory_space<vmem>>) target(%dma_start3A_55 : memref<8x128xf32, #tpu.memory_space<hbm>>) target_semaphore(%run_scoped3A : memref<!tpu.dma_semaphore, #tpu.memory_space<semaphore_mem>>)
      %dma_wait3A = arith.constant 0 : i32
      %dma_wait3A_56 = tpu.memref_slice %arg3[%multiple_of3A_52, %dma_wait3A] : memref<256x128xf32, #tpu.memory_space<hbm>> -> memref<8x128xf32, #tpu.memory_space<hbm>>
      %dma_wait3A_57 = arith.constant 0 : i32
      %dma_wait3A_58 = tpu.memref_slice %arg3[%multiple_of3A_52, %dma_wait3A_57] : memref<256x128xf32, #tpu.memory_space<hbm>> -> memref<8x128xf32, #tpu.memory_space<hbm>>
      tpu.wait_dma2 semaphore(%run_scoped3A : memref<!tpu.dma_semaphore, #tpu.memory_space<semaphore_mem>>) src(%arg7 : memref<8x128xf32, #tpu.memory_space<vmem>>) dst(%dma_wait3A_58 : memref<8x128xf32, #tpu.memory_space<hbm>>)
      tpu.yield
    }) : () -> ()
    return
  }
}

module attributes {stable_mosaic.version = 14 : i64} {
  func.func @_mm1_body(%arg0: i32, %arg1: memref<2000x128xf32, #tpu.memory_space<vmem>>, %arg2: memref<128x128xf32, #tpu.memory_space<vmem>>, %arg3: memref<1x128xf32, #tpu.memory_space<vmem>>, %arg4: memref<128x128xf32, #tpu.memory_space<vmem>>, %arg5: memref<2000x128xf32, #tpu.memory_space<vmem>>) attributes {dimension_semantics = [#tpu.dimension_semantics<arbitrary>], iteration_bounds = array<i64: 5>, scalar_prefetch = 0 : i64, scratch_operands = 0 : i64, tpu.core_type = #tpu.core_type<tc>, window_params = [{transform_indices = @transform_0, window_bounds = array<i64: 2000, 128>}, {pipeline_mode = #tpu.pipeline_mode<synchronous>, transform_indices = @transform_1, window_bounds = array<i64: 128, 128>}, {pipeline_mode = #tpu.pipeline_mode<synchronous>, transform_indices = @transform_2, window_bounds = array<i64: 1, 128>}, {pipeline_mode = #tpu.pipeline_mode<synchronous>, transform_indices = @transform_3, window_bounds = array<i64: 128, 128>}, {transform_indices = @transform_4, window_bounds = array<i64: 2000, 128>}]} {
    %get3A = arith.constant 0 : index
    %get3A_0 = arith.constant 0 : index
    %get3A_1 = vector.load %arg1[%get3A, %get3A_0] : memref<2000x128xf32, #tpu.memory_space<vmem>>, vector<2000x128xf32>
    %get3A_2 = arith.constant 0 : index
    %get3A_3 = arith.constant 0 : index
    %get3A_4 = vector.load %arg2[%get3A_2, %get3A_3] : memref<128x128xf32, #tpu.memory_space<vmem>>, vector<128x128xf32>
    %dot_general3A = arith.constant dense<0.000000e+00> : vector<2000x128xf32>
    %dot_general3A_5 = tpu.matmul %get3A_1, %get3A_4, %dot_general3A {dimension_numbers = #tpu.dot_dimension_numbers<[1], [1], [0], [0], [0, 0, 1, 0], [], []>, transpose_lhs_hint = false} : vector<2000x128xf32>, vector<128x128xf32>, vector<2000x128xf32> -> vector<2000x128xf32>
    %get3A_6 = arith.constant 0 : index
    %get3A_7 = arith.constant 0 : index
    %get3A_8 = vector.load %arg3[%get3A_6, %get3A_7] : memref<1x128xf32, #tpu.memory_space<vmem>>, vector<1x128xf32>
    %add3A = vector.broadcast %get3A_8 : vector<1x128xf32> to vector<2000x128xf32>
    %add3A_9 = arith.addf %dot_general3A_5, %add3A : vector<2000x128xf32>
    %max3A = arith.constant 0.000000e+00 : f32
    %max3A_10 = vector.broadcast %max3A : f32 to vector<2000x128xf32>
    %max3A_11 = arith.maximumf %add3A_9, %max3A_10 : vector<2000x128xf32>
    %get3A_12 = arith.constant 0 : index
    %get3A_13 = arith.constant 0 : index
    %get3A_14 = vector.load %arg4[%get3A_12, %get3A_13] : memref<128x128xf32, #tpu.memory_space<vmem>>, vector<128x128xf32>
    %dot_general3A_15 = arith.constant dense<0.000000e+00> : vector<2000x128xf32>
    %dot_general3A_16 = tpu.matmul %max3A_11, %get3A_14, %dot_general3A_15 {dimension_numbers = #tpu.dot_dimension_numbers<[1], [1], [0], [0], [0, 0, 1, 0], [], []>, transpose_lhs_hint = false} : vector<2000x128xf32>, vector<128x128xf32>, vector<2000x128xf32> -> vector<2000x128xf32>
    %swap3A = arith.constant 0 : index
    %swap3A_17 = arith.constant 0 : index
    %swap3A_18 = vector.load %arg5[%swap3A, %swap3A_17] : memref<2000x128xf32, #tpu.memory_space<vmem>>, vector<2000x128xf32>
    tpu.vector_store %arg5[%swap3A, %swap3A_17], %dot_general3A_16 {strides = array<i32>} : memref<2000x128xf32, #tpu.memory_space<vmem>>, vector<2000x128xf32>,
    return
  }
  func.func @transform_0(%arg0: i32) -> (i32, i32) {
    %c0_i32 = arith.constant 0 : i32
    %c0_i32_0 = arith.constant 0 : i32
    return %arg0, %c0_i32 : i32, i32
  }
  func.func @transform_1(%arg0: i32) -> (i32, i32) {
    %c0_i32 = arith.constant 0 : i32
    %c0_i32_0 = arith.constant 0 : i32
    %c0_i32_1 = arith.constant 0 : i32
    return %c0_i32, %c0_i32_0 : i32, i32
  }
  func.func @transform_2(%arg0: i32) -> (i32, i32) {
    %c0_i32 = arith.constant 0 : i32
    %c0_i32_0 = arith.constant 0 : i32
    %c0_i32_1 = arith.constant 0 : i32
    return %c0_i32, %c0_i32_0 : i32, i32
  }
  func.func @transform_3(%arg0: i32) -> (i32, i32) {
    %c0_i32 = arith.constant 0 : i32
    %c0_i32_0 = arith.constant 0 : i32
    %c0_i32_1 = arith.constant 0 : i32
    return %c0_i32, %c0_i32_0 : i32, i32
  }
  func.func @transform_4(%arg0: i32) -> (i32, i32) {
    %c0_i32 = arith.constant 0 : i32
    %c0_i32_0 = arith.constant 0 : i32
    return %arg0, %c0_i32 : i32, i32
  }
}

module attributes {stable_mosaic.version = 14 : i64} {
  func.func @_dinv_body(%arg0: i32, %arg1: memref<256x128xf32, #tpu.memory_space<vmem>>, %arg2: memref<128x128xf32, #tpu.memory_space<vmem>>) attributes {dimension_semantics = [#tpu.dimension_semantics<arbitrary>], iteration_bounds = array<i64: 1>, scalar_prefetch = 0 : i64, scratch_operands = 0 : i64, tpu.core_type = #tpu.core_type<tc>, window_params = [{pipeline_mode = #tpu.pipeline_mode<synchronous>, transform_indices = @transform_0, window_bounds = array<i64: 256, 128>}, {pipeline_mode = #tpu.pipeline_mode<synchronous>, transform_indices = @transform_1, window_bounds = array<i64: 128, 128>}]} {
    %get3A = arith.constant 0 : index
    %get3A_0 = arith.constant 0 : index
    %get3A_1 = vector.load %arg1[%get3A, %get3A_0] : memref<256x128xf32, #tpu.memory_space<vmem>>, vector<256x128xf32>
    %slice3A = vector.extract_strided_slice %get3A_1 {offsets = [0, 0], sizes = [128, 128], strides = [1, 1]} : vector<256x128xf32> to vector<128x128xf32>
    %slice3A_2 = vector.extract_strided_slice %get3A_1 {offsets = [128, 0], sizes = [128, 128], strides = [1, 1]} : vector<256x128xf32> to vector<128x128xf32>
    %add3A = arith.addf %slice3A, %slice3A_2 : vector<128x128xf32>
    %add3A_3 = arith.constant 1.000000e+00 : f32
    %add3A_4 = vector.broadcast %add3A_3 : f32 to vector<128x128xf32>
    %add3A_5 = arith.addf %add3A, %add3A_4 : vector<128x128xf32>
    %rsqrt3A = math.rsqrt %add3A_5 : vector<128x128xf32>
    %swap3A = arith.constant 0 : index
    %swap3A_6 = arith.constant 0 : index
    %swap3A_7 = vector.load %arg2[%swap3A, %swap3A_6] : memref<128x128xf32, #tpu.memory_space<vmem>>, vector<128x128xf32>
    tpu.vector_store %arg2[%swap3A, %swap3A_6], %rsqrt3A {strides = array<i32>} : memref<128x128xf32, #tpu.memory_space<vmem>>, vector<128x128xf32>,
    return
  }
  func.func @transform_0(%arg0: i32) -> (i32, i32) {
    %c0_i32 = arith.constant 0 : i32
    %c0_i32_0 = arith.constant 0 : i32
    %c0_i32_1 = arith.constant 0 : i32
    return %c0_i32, %c0_i32_0 : i32, i32
  }
  func.func @transform_1(%arg0: i32) -> (i32, i32) {
    %c0_i32 = arith.constant 0 : i32
    %c0_i32_0 = arith.constant 0 : i32
    %c0_i32_1 = arith.constant 0 : i32
    return %c0_i32, %c0_i32_0 : i32, i32
  }
}

module attributes {stable_mosaic.version = 14 : i64} {
  func.func @_scale_body(%arg0: i32, %arg1: memref<2000x128xf32, #tpu.memory_space<vmem>>, %arg2: memref<2000x1xf32, #tpu.memory_space<vmem>>, %arg3: memref<2000x128xf32, #tpu.memory_space<vmem>>) attributes {dimension_semantics = [#tpu.dimension_semantics<arbitrary>], iteration_bounds = array<i64: 5>, scalar_prefetch = 0 : i64, scratch_operands = 0 : i64, tpu.core_type = #tpu.core_type<tc>, window_params = [{transform_indices = @transform_0, window_bounds = array<i64: 2000, 128>}, {transform_indices = @transform_1, window_bounds = array<i64: 2000, 1>}, {transform_indices = @transform_2, window_bounds = array<i64: 2000, 128>}]} {
    %get3A = arith.constant 0 : index
    %get3A_0 = arith.constant 0 : index
    %get3A_1 = vector.load %arg1[%get3A, %get3A_0] : memref<2000x128xf32, #tpu.memory_space<vmem>>, vector<2000x128xf32>
    %get3A_2 = arith.constant 0 : index
    %get3A_3 = arith.constant 0 : index
    %get3A_4 = vector.load %arg2[%get3A_2, %get3A_3] : memref<2000x1xf32, #tpu.memory_space<vmem>>, vector<2000x1xf32>
    %mul3A = vector.broadcast %get3A_4 : vector<2000x1xf32> to vector<2000x128xf32>
    %mul3A_5 = arith.mulf %get3A_1, %mul3A : vector<2000x128xf32>
    %swap3A = arith.constant 0 : index
    %swap3A_6 = arith.constant 0 : index
    %swap3A_7 = vector.load %arg3[%swap3A, %swap3A_6] : memref<2000x128xf32, #tpu.memory_space<vmem>>, vector<2000x128xf32>
    tpu.vector_store %arg3[%swap3A, %swap3A_6], %mul3A_5 {strides = array<i32>} : memref<2000x128xf32, #tpu.memory_space<vmem>>, vector<2000x128xf32>,
    return
  }
  func.func @transform_0(%arg0: i32) -> (i32, i32) {
    %c0_i32 = arith.constant 0 : i32
    %c0_i32_0 = arith.constant 0 : i32
    return %arg0, %c0_i32 : i32, i32
  }
  func.func @transform_1(%arg0: i32) -> (i32, i32) {
    %c0_i32 = arith.constant 0 : i32
    %c0_i32_0 = arith.constant 0 : i32
    return %arg0, %c0_i32 : i32, i32
  }
  func.func @transform_2(%arg0: i32) -> (i32, i32) {
    %c0_i32 = arith.constant 0 : i32
    %c0_i32_0 = arith.constant 0 : i32
    return %arg0, %c0_i32 : i32, i32
  }
}

module attributes {stable_mosaic.version = 14 : i64} {
  func.func @_final_body(%arg0: i32, %arg1: memref<2000x128xf32, #tpu.memory_space<vmem>>, %arg2: memref<2000x128xf32, #tpu.memory_space<vmem>>, %arg3: memref<2000x128xf32, #tpu.memory_space<vmem>>, %arg4: memref<2000x1xf32, #tpu.memory_space<vmem>>, %arg5: memref<1x128xf32, #tpu.memory_space<vmem>>, %arg6: memref<128x128xf32, #tpu.memory_space<vmem>>, %arg7: memref<1x128xf32, #tpu.memory_space<vmem>>, %arg8: memref<2000x128xf32, #tpu.memory_space<vmem>>) attributes {dimension_semantics = [#tpu.dimension_semantics<arbitrary>], iteration_bounds = array<i64: 5>, scalar_prefetch = 0 : i64, scratch_operands = 0 : i64, tpu.core_type = #tpu.core_type<tc>, window_params = [{transform_indices = @transform_0, window_bounds = array<i64: 2000, 128>}, {transform_indices = @transform_1, window_bounds = array<i64: 2000, 128>}, {transform_indices = @transform_2, window_bounds = array<i64: 2000, 128>}, {transform_indices = @transform_3, window_bounds = array<i64: 2000, 1>}, {pipeline_mode = #tpu.pipeline_mode<synchronous>, transform_indices = @transform_4, window_bounds = array<i64: 1, 128>}, {pipeline_mode = #tpu.pipeline_mode<synchronous>, transform_indices = @transform_5, window_bounds = array<i64: 128, 128>}, {pipeline_mode = #tpu.pipeline_mode<synchronous>, transform_indices = @transform_6, window_bounds = array<i64: 1, 128>}, {transform_indices = @transform_7, window_bounds = array<i64: 2000, 128>}]} {
    %get3A = arith.constant 0 : index
    %get3A_0 = arith.constant 0 : index
    %get3A_1 = vector.load %arg1[%get3A, %get3A_0] : memref<2000x128xf32, #tpu.memory_space<vmem>>, vector<2000x128xf32>
    %get3A_2 = arith.constant 0 : index
    %get3A_3 = arith.constant 0 : index
    %get3A_4 = vector.load %arg2[%get3A_2, %get3A_3] : memref<2000x128xf32, #tpu.memory_space<vmem>>, vector<2000x128xf32>
    %add3A = arith.addf %get3A_1, %get3A_4 : vector<2000x128xf32>
    %get3A_5 = arith.constant 0 : index
    %get3A_6 = arith.constant 0 : index
    %get3A_7 = vector.load %arg3[%get3A_5, %get3A_6] : memref<2000x128xf32, #tpu.memory_space<vmem>>, vector<2000x128xf32>
    %add3A_8 = arith.addf %add3A, %get3A_7 : vector<2000x128xf32>
    %get3A_9 = arith.constant 0 : index
    %get3A_10 = arith.constant 0 : index
    %get3A_11 = vector.load %arg4[%get3A_9, %get3A_10] : memref<2000x1xf32, #tpu.memory_space<vmem>>, vector<2000x1xf32>
    %mul3A = vector.broadcast %get3A_11 : vector<2000x1xf32> to vector<2000x128xf32>
    %mul3A_12 = arith.mulf %add3A_8, %mul3A : vector<2000x128xf32>
    %get3A_13 = arith.constant 0 : index
    %get3A_14 = arith.constant 0 : index
    %get3A_15 = vector.load %arg5[%get3A_13, %get3A_14] : memref<1x128xf32, #tpu.memory_space<vmem>>, vector<1x128xf32>
    %add3A_16 = vector.broadcast %get3A_15 : vector<1x128xf32> to vector<2000x128xf32>
    %add3A_17 = arith.addf %mul3A_12, %add3A_16 : vector<2000x128xf32>
    %max3A = arith.constant 0.000000e+00 : f32
    %max3A_18 = vector.broadcast %max3A : f32 to vector<2000x128xf32>
    %max3A_19 = arith.maximumf %add3A_17, %max3A_18 : vector<2000x128xf32>
    %get3A_20 = arith.constant 0 : index
    %get3A_21 = arith.constant 0 : index
    %get3A_22 = vector.load %arg6[%get3A_20, %get3A_21] : memref<128x128xf32, #tpu.memory_space<vmem>>, vector<128x128xf32>
    %dot_general3A = arith.constant dense<0.000000e+00> : vector<2000x128xf32>
    %dot_general3A_23 = tpu.matmul %max3A_19, %get3A_22, %dot_general3A {dimension_numbers = #tpu.dot_dimension_numbers<[1], [1], [0], [0], [0, 0, 1, 0], [], []>, transpose_lhs_hint = false} : vector<2000x128xf32>, vector<128x128xf32>, vector<2000x128xf32> -> vector<2000x128xf32>
    %get3A_24 = arith.constant 0 : index
    %get3A_25 = arith.constant 0 : index
    %get3A_26 = vector.load %arg7[%get3A_24, %get3A_25] : memref<1x128xf32, #tpu.memory_space<vmem>>, vector<1x128xf32>
    %add3A_27 = vector.broadcast %get3A_26 : vector<1x128xf32> to vector<2000x128xf32>
    %add3A_28 = arith.addf %dot_general3A_23, %add3A_27 : vector<2000x128xf32>
    %swap3A = arith.constant 0 : index
    %swap3A_29 = arith.constant 0 : index
    %swap3A_30 = vector.load %arg8[%swap3A, %swap3A_29] : memref<2000x128xf32, #tpu.memory_space<vmem>>, vector<2000x128xf32>
    tpu.vector_store %arg8[%swap3A, %swap3A_29], %add3A_28 {strides = array<i32>} : memref<2000x128xf32, #tpu.memory_space<vmem>>, vector<2000x128xf32>,
    return
  }
  func.func @transform_0(%arg0: i32) -> (i32, i32) {
    %c0_i32 = arith.constant 0 : i32
    %c0_i32_0 = arith.constant 0 : i32
    return %arg0, %c0_i32 : i32, i32
  }
  func.func @transform_1(%arg0: i32) -> (i32, i32) {
    %add3A = arith.constant 5 : i32
    %add3A_0 = arith.addi %arg0, %add3A : i32
    %c0_i32 = arith.constant 0 : i32
    %c0_i32_1 = arith.constant 0 : i32
    return %add3A_0, %c0_i32 : i32, i32
  }
  func.func @transform_2(%arg0: i32) -> (i32, i32) {
    %c0_i32 = arith.constant 0 : i32
    %c0_i32_0 = arith.constant 0 : i32
    return %arg0, %c0_i32 : i32, i32
  }
  func.func @transform_3(%arg0: i32) -> (i32, i32) {
    %c0_i32 = arith.constant 0 : i32
    %c0_i32_0 = arith.constant 0 : i32
    return %arg0, %c0_i32 : i32, i32
  }
  func.func @transform_4(%arg0: i32) -> (i32, i32) {
    %c0_i32 = arith.constant 0 : i32
    %c0_i32_0 = arith.constant 0 : i32
    %c0_i32_1 = arith.constant 0 : i32
    return %c0_i32, %c0_i32_0 : i32, i32
  }
  func.func @transform_5(%arg0: i32) -> (i32, i32) {
    %c0_i32 = arith.constant 0 : i32
    %c0_i32_0 = arith.constant 0 : i32
    %c0_i32_1 = arith.constant 0 : i32
    return %c0_i32, %c0_i32_0 : i32, i32
  }
  func.func @transform_6(%arg0: i32) -> (i32, i32) {
    %c0_i32 = arith.constant 0 : i32
    %c0_i32_0 = arith.constant 0 : i32
    %c0_i32_1 = arith.constant 0 : i32
    return %c0_i32, %c0_i32_0 : i32, i32
  }
  func.func @transform_7(%arg0: i32) -> (i32, i32) {
    %c0_i32 = arith.constant 0 : i32
    %c0_i32_0 = arith.constant 0 : i32
    return %arg0, %c0_i32 : i32, i32
  }
}

</mosaic_0001>

<sc_bundles>
// kernel: kernel.11.cloned.1.call-start
scs
__scs_entry_jumppad:
0x0: {  	(pc) =	sbr.rel $0x88, $3  }
0x1: {  	(tag) =	ssettag $0x0;
	lr =	simm.s32 $0x1  }
0x2: {  	[smem:$0x3F99] =	sst lr;
	_ =	strace $0xD0000000  }
0x3: {  	_ = 	snop  }
0x4: {  	_ = 	snop  }
0x5: {  	_ = 	snop  }
0x6: {  	_ = 	snop  }
0x7: {  	_ = 	snop  }
__scs_overlays_trampoline_lowered:
0x8: {  	[smem:$0x3FA8] =	sst s0  }
0x9: {  	[smem:$0x3FA9] =	sst s1  }
0xa: {  	[smem:$0x3FAA] =	sst s2  }
0xb: {  	[smem:$0x3FAB] =	sst s3  }
0xc: {  	[smem:$0x3FAC] =	sst s4  }
0xd: {  	[smem:$0x3FAD] =	sst s5  }
0xe: {  	[smem:$0x3FAE] =	sst s6  }
0xf: {  	[smem:$0x3FAF] =	sst s7  }
0x10: {  	[smem:$0x3FB0] =	sst s8  }
0x11: {  	[smem:$0x3FB1] =	sst s9;
	s0 =	simm.s32 @!p0 $0x0  }
0x12: {  	s1 =	sld [smem:$0x3F97];
	s0 =	simm.s32 @p0 $0x1  }
0x13: {  	[smem:$0x3FB2] =	sst s0;
	s0 =	simm.s32 @!p1 $0x0  }
0x14: {  	s2 =	sld [smem:$0x3F96];
	s0 =	simm.s32 @p1 $0x1  }
0x15: {  	[smem:$0x3FB3] =	sst s0;
	s0 =	simm.s32 @!p2 $0x0  }
0x16: {  	s3 =	sld [smem:$0x3FDB];
	s0 =	simm.s32 @p2 $0x1  }
0x17: {  	s4 =	simm.s32 $0x1BF5;
	[smem:$0x3FB5] =	sst s0  }
0x18: {  	s0 =	sld [smem:$0x3F98];
	_ =	swait.ge [sflag:s4], $0x0  }
0x19: {  	s7 =	sld [smem:$0x3F99]  }
0x1a: {  	s8 =	sadd.s32 $0xFFFFE003, lr  }
0x1b: {  	s9 =	sadd.s32 $0xFFFFFEF7, lr;
	s5 =	simm.s32 $0xFFFFFFFF;
	p2 =	slt.u32 s8, $0xFFFFF086  }
0x1c: {  	p1 =	slt.u32 s9, $0xF7A;
	s5 =	simm.s32 @!p2 $0x0  }
0x1d: {  	s5 =	simm.s32 @p1 $0x1;
	p0 =	seq.s32 s7, s2  }
0x1e: {  	s7 =	smul.u32 @!p0 $0xF7A, s2;
	p2 =	seq.s32 @!p0 s5, $0x0  }
0x1f: {  	s9 =	smul.u32 $0xF7A, s1;
	s8 =	simm.s32 @!p0 $0x1BF5;
	p2 =	por !p2, p0  }
0x20: {  	[sflag:s8] =	ssyncset.s32 @!p0 $0xFFFFF086;
	s6 =	sadd.s32 @!p0 s3, s7;
	s7 =	simm.s32 @!p0 $0x108  }
0x21: {  	s3 =	sadd.s32 s3, s9;
	s6 =	sadd.s32 @!p0 $0x88, s6;
	s7 =	simm.s32 @p2 $0x1082  }
0x22: {  	[simem:s7], [sflag:s8] =	dma.local @!p0 [hbm:s6], $0xF7A  }
0x23: {  	s9 =	sor.u32 $0xD0000000, s2;
	s6 =	simm.s32 $0x108;
	_ =	swait.ge @!p0 [sflag:s8], $0x0  }
0x24: {  	s3 =	sadd.s32 $0x88, s3;
	s6 =	simm.s32 @!p1 $0x1082;
	[sflag:s4] =	ssyncset.s32 $0xFFFFF086  }
0x25: {  	[simem:s6], [sflag:s4] =	dma.local [hbm:s3], $0xF7A  }
0x26: {  	[smem:$0x3F99] =	sst s1;
	(tag) =	ssettag s2;
	_ =	strace s9  }
0x27: {  	s1 =	sld [smem:$0x3FA9]  }
0x28: {  	s2 =	sld [smem:$0x3FAA]  }
0x29: {  	s4 =	sld [smem:$0x3FAC]  }
0x2a: {  	p0 =	seq.s32 s5, $0x0;
	s5 =	sld [smem:$0x3FAD]  }
0x2b: {  	s6 =	sld [smem:$0x3FAE]  }
0x2c: {  	s7 =	sld [smem:$0x3FAF]  }
0x2d: {  	s3 =	simm.s32 $0x108;
	s8 =	sld [smem:$0x3FB0]  }
0x2e: {  	s3 =	simm.s32 @!p0 $0x1082;
	s9 =	sld [smem:$0x3FB1]  }
0x2f: {  	lr =	sadd.s32 s0, s3;
	s0 =	sld [smem:$0x3FA8]  }
0x30: {  	s3 =	sld [smem:$0x3FAB]  }
0x31: {  	[smem:$0x3FB4] =	sst s10  }
0x32: {  	s10 =	sld [smem:$0x3FB2];
	_ =	sdelay $0x3  }
0x33: {  	p0 =	seq.s32 s10, $0x1;
	s10 =	sld [smem:$0x3FB4];
	_ =	sdelay $0x3  }
0x34: {  	[smem:$0x3FB4] =	sst s10  }
0x35: {  	s10 =	sld [smem:$0x3FB3];
	_ =	sdelay $0x3  }
0x36: {  	p1 =	seq.s32 s10, $0x1;
	s10 =	sld [smem:$0x3FB4];
	_ =	sdelay $0x3  }
0x37: {  	[smem:$0x3FB4] =	sst s10  }
0x38: {  	s10 =	sld [smem:$0x3FB5]  }
0x39: {  	_ = 	snop;
	(pc) =	sbr.ind lr, $3  }
0x3a: {  	_ = 	snop  }
0x3b: {  	_ = 	snop  }
0x3c: {  	p2 =	seq.s32 s10, $0x1;
	s10 =	sld [smem:$0x3FB4]  }
0x3d: {  	_ =	shalt  }
0x3e: {  	_ =	shalt  }
0x3f: {  	_ =	shalt  }
0x40: {  	_ =	shalt  }
0x41: {  	_ =	shalt  }
0x42: {  	_ =	shalt  }
0x43: {  	_ =	shalt  }
0x44: {  	_ =	shalt  }
0x45: {  	_ =	shalt  }
0x46: {  	_ =	shalt  }
0x47: {  	_ =	shalt  }
0x48: {  	_ =	shalt  }
0x49: {  	_ =	shalt  }
0x4a: {  	_ =	shalt  }
0x4b: {  	_ =	shalt  }
0x4c: {  	_ =	shalt  }
0x4d: {  	_ =	shalt  }
0x4e: {  	_ =	shalt  }
0x4f: {  	_ =	shalt  }
0x50: {  	_ =	shalt  }
0x51: {  	_ =	shalt  }
0x52: {  	_ =	shalt  }
0x53: {  	_ =	shalt  }
0x54: {  	_ =	shalt  }
0x55: {  	_ =	shalt  }
0x56: {  	_ =	shalt  }
0x57: {  	_ =	shalt  }
0x58: {  	_ =	shalt  }
0x59: {  	_ =	shalt  }
0x5a: {  	_ =	shalt  }
0x5b: {  	_ =	shalt  }
0x5c: {  	_ =	shalt  }
0x5d: {  	_ =	shalt  }
0x5e: {  	_ =	shalt  }
0x5f: {  	_ =	shalt  }
0x60: {  	_ =	shalt  }
0x61: {  	_ =	shalt  }
0x62: {  	_ =	shalt  }
0x63: {  	_ =	shalt  }
0x64: {  	_ =	shalt  }
0x65: {  	_ =	shalt  }
0x66: {  	_ =	shalt  }
0x67: {  	_ =	shalt  }
0x68: {  	_ =	shalt  }
0x69: {  	_ =	shalt  }
0x6a: {  	_ =	shalt  }
0x6b: {  	_ =	shalt  }
0x6c: {  	_ =	shalt  }
0x6d: {  	_ =	shalt  }
0x6e: {  	_ =	shalt  }
0x6f: {  	_ =	shalt  }
0x70: {  	_ =	shalt  }
0x71: {  	_ =	shalt  }
0x72: {  	_ =	shalt  }
0x73: {  	_ =	shalt  }
0x74: {  	_ =	shalt  }
0x75: {  	_ =	shalt  }
0x76: {  	_ =	shalt  }
0x77: {  	_ =	shalt  }
0x78: {  	_ =	shalt  }
0x79: {  	_ =	shalt  }
0x7a: {  	_ =	shalt  }
0x7b: {  	_ =	shalt  }
0x7c: {  	_ =	shalt  }
0x7d: {  	_ =	shalt  }
0x7e: {  	_ =	shalt  }
0x7f: {  	_ =	shalt  }
0x80: {  	_ =	shalt  }
0x81: {  	_ =	shalt  }
0x82: {  	_ =	shalt  }
0x83: {  	_ =	shalt  }
0x84: {  	_ =	shalt  }
0x85: {  	_ =	shalt  }
0x86: {  	_ =	shalt  }
0x87: {  	_ =	shalt  }
.Lfunc_end0:
.L_simem_size_0:
called_computation.1_lowered:
.L_overlay_start_0:
0x88: {  	s2 =	sld [smem:$0x3FD9]  }
0x89: {  	s3 =	sld [smem:$0x3FFE];
	_ =	sdelay $0x1  }
0x8a: {  	s1 =	srdreg.scid  }
0x8b: {  	s0 =	sand.u32 $0x1, s1  }
0x8c: {  	s17 =	sshll.u32 s0, $0xA;
	s2 =	sadd.s32 s3, s2  }
0x8d: {  	s2 =	sadd.s32 s2, s17  }
0x8e: {  	[smem:$0x3FC0] =	sst s2  }
0x8f: {  	_ = 	snop  }
0x90: {  	s2 =	sld [smem:$0x3FD0];
	(tm) =	ssettm $0x1  }
0x91: {  	s18 =	sld [smem:$0x3FFB];
	_ =	sdelay $0x3  }
0x92: {  	_ =	strace s18  }
0x93: {  	s3 =	sld [smem:$0x3FFC];
	_ =	sdelay $0x3  }
0x94: {  	_ =	strace s3  }
0x95: {  	s3 =	sld [smem:$0x3FFD];
	_ =	sdelay $0x3  }
0x96: {  	_ =	strace s3  }
0x97: {  	_ =	strace $0x8FFFFFFF  }
0x98: {  	s19 =	sld [smem:$0x3FDB];
	_ =	sdelay $0x1  }
0x99: {  	s4 =	simm.s32 $_scs_section_size  }
0x9a: {  	s5 =	simm.s32 $_size__tile_overlayer_lowered;
	s6 =	simm.s32 $_tile_overlayer_lowered  }
0x9b: {  	s22 =	simm.s32 $0x1BFF;
	s21 =	sshll.u32 s6, $0x1;
	s3 =	sadd.s32 s4, s19  }
0x9c: {  	s7 =	simm.s32 $0x0;
	s20 =	sshll.u32 s5, $0x1;
	s5 =	sadd.s32 s21, s3  }
0x9d: {  	[timem:s7], [sflag:s22] =	dma.local [hbm:s5], s20  }
0x9e: {  	_ =	swait.ge [sflag:s22], s20  }
0x9f: {  	s4 =	ssub.s32 $0x0, s20;
	[sflag:s22] =	ssyncset.done $0x0  }
0xa0: {  	[sflag:s22] =	ssyncadd.s32 s4;
	_ =	sdelay $0x1  }
0xa1: {  	s23 =	simm.s32 $0x1B8B  }
0xa2: {  	_ =	swait.ge [sflag:s23], $0x1  }
0xa3: {  	[sflag:s23] =	ssyncset.done $0x0  }
0xa4: {  	s25 =	simm.s32 $0x1B8E;
	s24 =	sld [smem:$0x3FFE];
	[sflag:s23] =	ssyncadd.s32 $0xFFFFFFFF  }
0xa5: {  	s26 =	simm.s32 $execute0_lowered;
	[smem:$0x3FD2] =	sst s25  }
0xa6: {  	s5 =	sshll.u32 s26, $0x1;
	_ =	strace $0x80000049;
	[dreg:$0x1] =	wrdreg $0xFFFFFFFF  }
0xa7: {  	s28 =	simm.s32 $_size_execute0_lowered;
	s3 =	sadd.s32 s3, s5;
	[dreg:$0x0] =	wrdreg $0x0  }
0xa8: {  	s5 =	sshll.u32 s28, $0x1;
	[dreg:$0x2] =	wrdreg s3  }
0xa9: {  	[dreg:$0x3] =	wrdreg s5  }
0xaa: {  	[dreg:$0x4] =	wrdreg $0xC0  }
0xab: {  	_ =	task [dreg:s7], $0x5FFFF  }
0xac: {  	[dreg:$0x1] =	wrdreg $0xFFFFFFFF  }
0xad: {  	[dreg:$0x0] =	wrdreg $0x60  }
0xae: {  	[dreg:$0x2] =	wrdreg s24  }
0xaf: {  	[dreg:$0x3] =	wrdreg s2  }
0xb0: {  	[dreg:$0x4] =	wrdreg $0xA8000  }
0xb1: {  	[dreg:$0x5] =	wrdreg $0x9  }
0xb2: {  	_ =	task.clear_ibuf [dreg:s7], $0x6FFFF;
	_ =	strace $0x90000049  }
0xb3: {  	s29 =	simm.s32 $0x9;
	_ =	strace $0x8000004B  }
0xb4: {  	_ =	swait.ge [sflag:s29], $0x1  }
0xb5: {  	[sflag:s29] =	ssyncadd.s32 $0xFFFFFFFF  }
0xb6: {  	_ =	strace $0x9000004B  }
0xb7: {  	_ =	sfence  }
0xb8: {  	s30 =	sld [smem:$0x0];
	_ =	sdelay $0x2  }
0xb9: {  	s31 =	sshll.u32 s1, $0xD;
	s1 =	sshrl.u32 s1, $0x2  }
0xba: {  	s3 =	sand.u32 $0x4000, s31;
	s1 =	sadd.s32 s1, s30  }
0xbb: {  	s0 =	sor.u32 s3, s0;
	s1 =	sshll.u32 s1, $0x11  }
0xbc: {  	s0 =	sor.u32 s1, s0  }
0xbd: {  	s0 =	sadd.s32 $0x8F2B, s0  }
0xbe: {  	[sflag:s0] =	ssyncadd.remote.s32 $0x1  }
0xbf: {  	_ =	sfence.sel $0xFFFF  }
0xc0: {  	[dreg:$0x0] =	wrdreg $0xFFFFFFFF;
	(pc) =	sbr.abs _section_cstart, $3  }
0xc1: {  	[dreg:$0x1] =	wrdreg $0xFFFFFFFF  }
0xc2: {  	_ =	task.clear_ibuf [dreg:s7], $0x2FFFF;
	_ =	strace $0x9FFFFFFF  }
0xc3: {  	(tm) =	ssettm $0x7FFFFFFF  }
tec
execute0_lowered:
.L_overlay_start_1:
0x0: {  	(tag) =	ssettag $0x1  }
0x1: {  	s5 =	rddreg [dreg:$0x0]  }
0x2: {  	s9 =	rddreg [dreg:$0x1]  }
0x3: {  	s2 =	rddreg [dreg:$0x2]  }
0x4: {  	s0 =	rddreg [dreg:$0x3]  }
0x5: {  	s3 =	simm.s32 $0x0;
	s4 =	srdreg.scid;
	s1 =	stileid.u32  }
0x6: {  	s16 =	simm.s32 $0x2800;
	s17 =	simm.s32 $0x5;
	s18 =	simm.s32 $0x1400  }
0x7: {  	s19 =	simm.s32 $0x80;
	s20 =	simm.s32 $0x6800;
	s21 =	simm.s32 $0x1  }
0x8: {  	s22 =	simm.s32 $0x3;
	s23 =	simm.s32 $0x2;
	s24 =	simm.s32 $0x4  }
0x9: {  	s25 =	simm.s32 $0x2700;
	s26 =	simm.s32 $0x2780;
	[smem:$0x7FF] =	sst s3  }
0xa: {  	s6 =	sand.u32 $0x1, s4;
	s7 =	smul.u32 $0x2700, s1;
	s4 =	sadd.s32 $0x15A00, s5  }
0xb: {  	s11 =	smul.u32 $0x4E000, s1;
	s12 =	sadd.s32 $0xBA00, s5;
	s10 =	sshll.u32 s6, $0x4  }
0xc: {  	s8 =	smul.u32 $0x27100, s6;
	s6 =	ssub.s32 $0x2, s6;
	s10 =	sor.u32 s1, s10  }
0xd: {  	_ =	strace $0x8000004A;
	s29 =	sshrl.u32 s6, $0x1;
	s28 =	smul.u32 $0x2800, s10  }
0xe: {  	s30 =	sshrl.u32 s11, $0x2;
	s7 =	sadd.s32 s7, s8;
	s10 =	smul.u32 $0x500, s10  }
0xf: {  	s31 =	ssub.s32 s6, s29;
	s13 =	sadd.s32 s7, s5;
	s5 =	sadd.s32 s30, s2  }
0x10: {  	s11 =	smax.u32 s31, $0x1;
	s8 =	sshrl.u32 s28, $0x3;
	s6 =	sadd.s32 s12, s10  }
0x11: {  	s7 =	sadd.s32 s9, s10;
	s10 =	sadd.s32 $0x3CC00, s13;
	s14 =	sadd.s32 $0x280, s8  }
0x12: {  	s13 =	sadd.s32 $0x8000, s5;
	s15 =	sadd.s32 $0x10000, s5;
	s8 =	sadd.s32 s12, s14  }
0x13: {  	v0 =	vimm.f32 $0.0e+00;
	s9 =	sadd.s32 s9, s14;
	s12 =	sadd.s32 $0x4000, s5;
	s14 =	sadd.s32 $0xC000, s5  }
.LBB2_1:
0x14: {  	s28 =	simm.s32 $0x0;
	s29 =	simm.s32 $0x200  }
.LBB2_2:
0x15: {  	p0 =	sne.s32 s29, $0xFE00;
	[tilespmem:s28+$0x2870] =	vst v0  }
0x16: {  	[tilespmem:s28+$0x2800] =	vst v0  }
0x17: {  	[tilespmem:s28+$0x2810] =	vst v0  }
.Ltmp0:
0x18: {  	[tilespmem:s28+$0x2820] =	vst v0;
	(pc) =	sbr.rel @p0 .LBB2_2-.Ltmp0, $4  }
0x19: {  	[tilespmem:s28+$0x2830] =	vst v0  }
0x1a: {  	[tilespmem:s28+$0x2840] =	vst v0  }
0x1b: {  	[tilespmem:s28+$0x2850] =	vst v0  }
0x1c: {  	[tilespmem:s28+$0x2860] =	vst v0;
	s28 =	sshra.s32 s29, $0x2;
	s29 =	sadd.s32 $0x200, s29  }
0x1d: {  	[tilespmem:s28+$0x2870] =	vst v0  }
0x1e: {  	[tilespmem:s28+$0x2800] =	vst v0  }
0x1f: {  	[tilespmem:s28+$0x2810] =	vst v0  }
0x20: {  	[tilespmem:s28+$0x2820] =	vst v0  }
0x21: {  	[tilespmem:s28+$0x2830] =	vst v0  }
0x22: {  	[tilespmem:s28+$0x2840] =	vst v0  }
0x23: {  	[tilespmem:s28+$0x2850] =	vst v0  }
0x24: {  	[tilespmem:s28+$0x2860] =	vst v0  }
0x25: {  	[spmem:s5] =	stream.linear.scatter [tilespmem:s16], [sflag:$0x5], $0x4000, $0x38;
	[tilespmem:$0x1E080] =	vst v63  }
0x26: {  	_ =	swait.ge [sflag:s17], $0x4000  }
0x27: {  	[sflag:s17] =	ssyncset.done $0x0  }
0x28: {  	[sflag:s17] =	ssyncadd.s32 $0xFFFFC000  }
0x29: {  	[spmem:s12] =	stream.linear.scatter [tilespmem:s16], [sflag:$0x5], $0x4000, $0x38;
	[tilespmem:$0x1E080] =	vst v63  }
0x2a: {  	_ =	swait.ge [sflag:s17], $0x4000  }
0x2b: {  	[sflag:s17] =	ssyncset.done $0x0  }
0x2c: {  	[sflag:s17] =	ssyncadd.s32 $0xFFFFC000  }
0x2d: {  	[spmem:s13] =	stream.linear.scatter [tilespmem:s16], [sflag:$0x5], $0x4000, $0x38;
	[tilespmem:$0x1E080] =	vst v63  }
0x2e: {  	_ =	swait.ge [sflag:s17], $0x4000  }
0x2f: {  	[sflag:s17] =	ssyncset.done $0x0  }
0x30: {  	[sflag:s17] =	ssyncadd.s32 $0xFFFFC000  }
0x31: {  	[spmem:s14] =	stream.linear.scatter [tilespmem:s16], [sflag:$0x5], $0x4000, $0x38;
	[tilespmem:$0x1E080] =	vst v63  }
0x32: {  	_ =	swait.ge [sflag:s17], $0x4000  }
0x33: {  	[sflag:s17] =	ssyncset.done $0x0  }
0x34: {  	[sflag:s17] =	ssyncadd.s32 $0xFFFFC000  }
0x35: {  	[spmem:s15] =	stream.linear.scatter [tilespmem:s16], [sflag:$0x5], $0x4000, $0x38;
	[tilespmem:$0x1E080] =	vst v63  }
0x36: {  	_ =	swait.ge [sflag:s17], $0x4000  }
0x37: {  	[sflag:s17] =	ssyncset.done $0x0  }
0x38: {  	[sflag:s17] =	ssyncadd.s32 $0xFFFFC000  }
0x39: {  	s28 =	simm.s32 $0x0;
	[bflag:$0x0] =	sbarrier.arrive $0xFFFF  }
0x3a: {  	[tilespmem:s28], [sflag:$0x5] =	stream.linear.gather [hbm4b:s6+s28], $0x1400, $0x38;
	[tilespmem:$0x1E080] =	vst v63  }
0x3b: {  	_ =	swait.ge [sflag:s17], $0x1400  }
0x3c: {  	[sflag:s17] =	ssyncset.done $0x0  }
0x3d: {  	[sflag:s17] =	ssyncadd.s32 $0xFFFFEC00  }
0x3e: {  	[tilespmem:s18], [sflag:$0x5] =	stream.linear.gather [hbm4b:s7+s28], $0x1400, $0x38;
	[tilespmem:$0x1E080] =	vst v63  }
0x3f: {  	_ =	swait.ge [sflag:s17], $0x1400  }
0x40: {  	[sflag:s17] =	ssyncset.done $0x0  }
0x41: {  	[sflag:s17] =	ssyncadd.s32 $0xFFFFEC00  }
0x42: {  	[tilespmem:s16], [sflag:$0x1] =	stream.indirect.gather [hbm4b:s4+s19], $0x80, s28, s19, $0xb8;
	[tilespmem:$0x1E080] =	vst v63  }
0x43: {  	_ = 	snop  }
0x44: {  	[tilespmem:s20], [sflag:$0x2] =	stream.indirect.gather [hbm4b:s4+s19], $0x80, s19, s19, $0xb8;
	[tilespmem:$0x1E080] =	vst v63  }
0x45: {  	_ =	swait.ge [sflag:s21], $0x4000  }
0x46: {  	[sflag:s21] =	ssyncset.done $0x0  }
0x47: {  	s28 =	simm.s32 $0x1400;
	[sflag:s21] =	ssyncadd.s32 $0xFFFFC000  }
0x48: {  	[spmem:s2] =	stream.indirect.scatter.add.f32 [tilespmem:s16], [sflag:$0x3], $0x80, s28, s19, $0xb8;
	[tilespmem:$0x1E080] =	vst v63  }
0x49: {  	_ =	swait.ge [sflag:s22], $0x4000  }
0x4a: {  	[sflag:s22] =	ssyncset.done $0x0  }
0x4b: {  	s28 =	simm.s32 $0x100;
	[sflag:s22] =	ssyncadd.s32 $0xFFFFC000  }
0x4c: {  	[tilespmem:s16], [sflag:$0x1] =	stream.indirect.gather [hbm4b:s4+s19], $0x80, s28, s19, $0xb8;
	[tilespmem:$0x1E080] =	vst v63  }
0x4d: {  	_ =	swait.ge [sflag:s23], $0x4000  }
0x4e: {  	[sflag:s23] =	ssyncset.done $0x0  }
0x4f: {  	s28 =	simm.s32 $0x1480;
	[sflag:s23] =	ssyncadd.s32 $0xFFFFC000  }
0x50: {  	[spmem:s2] =	stream.indirect.scatter.add.f32 [tilespmem:s20], [sflag:$0x4], $0x80, s28, s19, $0xb8;
	[tilespmem:$0x1E080] =	vst v63  }
0x51: {  	_ =	swait.ge [sflag:s24], $0x4000  }
0x52: {  	[sflag:s24] =	ssyncset.done $0x0  }
0x53: {  	s29 =	simm.s32 $0x180;
	s28 =	simm.s32 $0x400;
	[sflag:s24] =	ssyncadd.s32 $0xFFFFC000  }
.LBB2_4:
0x54: {  	[tilespmem:s20], [sflag:$0x2] =	stream.indirect.gather [hbm4b:s4+s19], $0x80, s29, s19, $0xb8;
	[tilespmem:$0x1E080] =	vst v63  }
0x55: {  	s29 =	smov.u32 s28  }
0x56: {  	p0 =	sne.s32 s28, $0x4800;
	s28 =	sadd.s32 $0x400, s28;
	_ =	swait.ge [sflag:s21], $0x4000  }
0x57: {  	s29 =	sshra.s32 s29, $0x2;
	[sflag:s21] =	ssyncset.done $0x0  }
0x58: {  	s30 =	sadd.s32 $0x1400, s29;
	[sflag:s21] =	ssyncadd.s32 $0xFFFFC000  }
0x59: {  	[spmem:s2] =	stream.indirect.scatter.add.f32 [tilespmem:s16], [sflag:$0x3], $0x80, s30, s19, $0xb8;
	[tilespmem:$0x1E080] =	vst v63  }
0x5a: {  	_ =	swait.ge [sflag:s22], $0x4000  }
0x5b: {  	[sflag:s22] =	ssyncset.done $0x0  }
0x5c: {  	s30 =	sadd.s32 $0x100, s29;
	[sflag:s22] =	ssyncadd.s32 $0xFFFFC000  }
0x5d: {  	[tilespmem:s16], [sflag:$0x1] =	stream.indirect.gather [hbm4b:s4+s19], $0x80, s30, s19, $0xb8;
	[tilespmem:$0x1E080] =	vst v63  }
0x5e: {  	_ =	swait.ge [sflag:s23], $0x4000  }
0x5f: {  	[sflag:s23] =	ssyncset.done $0x0  }
.Ltmp1:
0x60: {  	s30 =	sadd.s32 $0x1480, s29;
	[sflag:s23] =	ssyncadd.s32 $0xFFFFC000;
	(pc) =	sbr.rel @p0 .LBB2_4-.Ltmp1, $4  }
0x61: {  	[spmem:s2] =	stream.indirect.scatter.add.f32 [tilespmem:s20], [sflag:$0x4], $0x80, s30, s19, $0xb8;
	[tilespmem:$0x1E080] =	vst v63  }
0x62: {  	_ =	swait.ge [sflag:s24], $0x4000  }
0x63: {  	[sflag:s24] =	ssyncset.done $0x0  }
0x64: {  	s29 =	sadd.s32 $0x180, s29;
	[sflag:s24] =	ssyncadd.s32 $0xFFFFC000  }
0x65: {  	[tilespmem:s20], [sflag:$0x2] =	stream.indirect.gather [hbm4b:s4+s19], $0x80, s29, s19, $0xb8;
	[tilespmem:$0x1E080] =	vst v63  }
0x66: {  	_ =	swait.ge [sflag:s21], $0x4000  }
0x67: {  	[sflag:s21] =	ssyncset.done $0x0  }
0x68: {  	[sflag:s21] =	ssyncadd.s32 $0xFFFFC000  }
0x69: {  	[spmem:s2] =	stream.indirect.scatter.add.f32 [tilespmem:s16], [sflag:$0x3], $0x80, s25, s19, $0xb8;
	[tilespmem:$0x1E080] =	vst v63  }
0x6a: {  	_ =	swait.ge [sflag:s23], $0x4000  }
0x6b: {  	[sflag:s23] =	ssyncset.done $0x0  }
0x6c: {  	[sflag:s23] =	ssyncadd.s32 $0xFFFFC000  }
0x6d: {  	[spmem:s2] =	stream.indirect.scatter.add.f32 [tilespmem:s20], [sflag:$0x4], $0x80, s26, s19, $0xb8;
	[tilespmem:$0x1E080] =	vst v63  }
0x6e: {  	_ =	swait.ge [sflag:s22], $0x4000  }
0x6f: {  	[sflag:s22] =	ssyncset.done $0x0  }
0x70: {  	[sflag:s22] =	ssyncadd.s32 $0xFFFFC000  }
0x71: {  	_ =	swait.ge [sflag:s24], $0x4000  }
0x72: {  	[sflag:s24] =	ssyncset.done $0x0  }
0x73: {  	s28 =	simm.s32 $0x0;
	[sflag:s24] =	ssyncadd.s32 $0xFFFFC000  }
0x74: {  	[tilespmem:s28], [sflag:$0x5] =	stream.linear.gather [hbm4b:s8+s28], $0x1400, $0x38;
	[tilespmem:$0x1E080] =	vst v63  }
0x75: {  	_ =	swait.ge [sflag:s17], $0x1400  }
0x76: {  	[sflag:s17] =	ssyncset.done $0x0  }
0x77: {  	[sflag:s17] =	ssyncadd.s32 $0xFFFFEC00  }
0x78: {  	[tilespmem:s18], [sflag:$0x5] =	stream.linear.gather [hbm4b:s9+s28], $0x1400, $0x38;
	[tilespmem:$0x1E080] =	vst v63  }
0x79: {  	_ =	swait.ge [sflag:s17], $0x1400  }
0x7a: {  	[sflag:s17] =	ssyncset.done $0x0  }
0x7b: {  	[sflag:s17] =	ssyncadd.s32 $0xFFFFEC00  }
0x7c: {  	[tilespmem:s16], [sflag:$0x1] =	stream.indirect.gather [hbm4b:s4+s19], $0x80, s28, s19, $0xb8;
	[tilespmem:$0x1E080] =	vst v63  }
0x7d: {  	_ = 	snop  }
0x7e: {  	[tilespmem:s20], [sflag:$0x2] =	stream.indirect.gather [hbm4b:s4+s19], $0x80, s19, s19, $0xb8;
	[tilespmem:$0x1E080] =	vst v63  }
0x7f: {  	_ =	swait.ge [sflag:s21], $0x4000  }
0x80: {  	[sflag:s21] =	ssyncset.done $0x0  }
0x81: {  	s28 =	simm.s32 $0x1400;
	[sflag:s21] =	ssyncadd.s32 $0xFFFFC000  }
0x82: {  	[spmem:s2] =	stream.indirect.scatter.add.f32 [tilespmem:s16], [sflag:$0x3], $0x80, s28, s19, $0xb8;
	[tilespmem:$0x1E080] =	vst v63  }
0x83: {  	_ =	swait.ge [sflag:s22], $0x4000  }
0x84: {  	[sflag:s22] =	ssyncset.done $0x0  }
0x85: {  	s28 =	simm.s32 $0x100;
	[sflag:s22] =	ssyncadd.s32 $0xFFFFC000  }
0x86: {  	[tilespmem:s16], [sflag:$0x1] =	stream.indirect.gather [hbm4b:s4+s19], $0x80, s28, s19, $0xb8;
	[tilespmem:$0x1E080] =	vst v63  }
0x87: {  	_ =	swait.ge [sflag:s23], $0x4000  }
0x88: {  	[sflag:s23] =	ssyncset.done $0x0  }
0x89: {  	s28 =	simm.s32 $0x1480;
	[sflag:s23] =	ssyncadd.s32 $0xFFFFC000  }
0x8a: {  	[spmem:s2] =	stream.indirect.scatter.add.f32 [tilespmem:s20], [sflag:$0x4], $0x80, s28, s19, $0xb8;
	[tilespmem:$0x1E080] =	vst v63  }
0x8b: {  	_ =	swait.ge [sflag:s24], $0x4000  }
0x8c: {  	[sflag:s24] =	ssyncset.done $0x0  }
0x8d: {  	s29 =	simm.s32 $0x180;
	s28 =	simm.s32 $0x400;
	[sflag:s24] =	ssyncadd.s32 $0xFFFFC000  }
.LBB2_6:
0x8e: {  	[tilespmem:s20], [sflag:$0x2] =	stream.indirect.gather [hbm4b:s4+s19], $0x80, s29, s19, $0xb8;
	[tilespmem:$0x1E080] =	vst v63  }
0x8f: {  	s29 =	smov.u32 s28  }
0x90: {  	p0 =	sne.s32 s28, $0x4800;
	s28 =	sadd.s32 $0x400, s28;
	_ =	swait.ge [sflag:s21], $0x4000  }
0x91: {  	s29 =	sshra.s32 s29, $0x2;
	[sflag:s21] =	ssyncset.done $0x0  }
0x92: {  	s30 =	sadd.s32 $0x1400, s29;
	[sflag:s21] =	ssyncadd.s32 $0xFFFFC000  }
0x93: {  	[spmem:s2] =	stream.indirect.scatter.add.f32 [tilespmem:s16], [sflag:$0x3], $0x80, s30, s19, $0xb8;
	[tilespmem:$0x1E080] =	vst v63  }
0x94: {  	_ =	swait.ge [sflag:s22], $0x4000  }
0x95: {  	[sflag:s22] =	ssyncset.done $0x0  }
0x96: {  	s30 =	sadd.s32 $0x100, s29;
	[sflag:s22] =	ssyncadd.s32 $0xFFFFC000  }
0x97: {  	[tilespmem:s16], [sflag:$0x1] =	stream.indirect.gather [hbm4b:s4+s19], $0x80, s30, s19, $0xb8;
	[tilespmem:$0x1E080] =	vst v63  }
0x98: {  	_ =	swait.ge [sflag:s23], $0x4000  }
0x99: {  	[sflag:s23] =	ssyncset.done $0x0  }
.Ltmp2:
0x9a: {  	s30 =	sadd.s32 $0x1480, s29;
	[sflag:s23] =	ssyncadd.s32 $0xFFFFC000;
	(pc) =	sbr.rel @p0 .LBB2_6-.Ltmp2, $4  }
0x9b: {  	[spmem:s2] =	stream.indirect.scatter.add.f32 [tilespmem:s20], [sflag:$0x4], $0x80, s30, s19, $0xb8;
	[tilespmem:$0x1E080] =	vst v63  }
0x9c: {  	_ =	swait.ge [sflag:s24], $0x4000  }
0x9d: {  	[sflag:s24] =	ssyncset.done $0x0  }
0x9e: {  	s29 =	sadd.s32 $0x180, s29;
	[sflag:s24] =	ssyncadd.s32 $0xFFFFC000  }
0x9f: {  	[tilespmem:s20], [sflag:$0x2] =	stream.indirect.gather [hbm4b:s4+s19], $0x80, s29, s19, $0xb8;
	[tilespmem:$0x1E080] =	vst v63  }
0xa0: {  	_ =	swait.ge [sflag:s21], $0x4000  }
0xa1: {  	[sflag:s21] =	ssyncset.done $0x0  }
0xa2: {  	[sflag:s21] =	ssyncadd.s32 $0xFFFFC000  }
0xa3: {  	[spmem:s2] =	stream.indirect.scatter.add.f32 [tilespmem:s16], [sflag:$0x3], $0x80, s25, s19, $0xb8;
	[tilespmem:$0x1E080] =	vst v63  }
0xa4: {  	_ =	swait.ge [sflag:s23], $0x4000  }
0xa5: {  	[sflag:s23] =	ssyncset.done $0x0  }
0xa6: {  	[sflag:s23] =	ssyncadd.s32 $0xFFFFC000  }
0xa7: {  	[spmem:s2] =	stream.indirect.scatter.add.f32 [tilespmem:s20], [sflag:$0x4], $0x80, s26, s19, $0xb8;
	[tilespmem:$0x1E080] =	vst v63  }
0xa8: {  	_ =	swait.ge [sflag:s22], $0x4000  }
0xa9: {  	[sflag:s22] =	ssyncset.done $0x0  }
0xaa: {  	[sflag:s22] =	ssyncadd.s32 $0xFFFFC000  }
0xab: {  	_ =	swait.ge [sflag:s24], $0x4000  }
0xac: {  	s28 =	sshll.u32 s1, $0x6;
	s3 =	sadd.s32 $0x1, s3;
	[sflag:s24] =	ssyncset.done $0x0  }
0xad: {  	s31 =	sshrl.u32 s5, $0x3;
	p0 =	sne.s32 s3, s11;
	[sflag:s24] =	ssyncadd.s32 $0xFFFFC000  }
.Ltmp3:
0xae: {  	s28 =	sor.u32 $0x1C05, s28;
	[bflag:$0x0] =	sbarrier.arrive $0xFFFF;
	(pc) =	sbr.rel @p0 .LBB2_1-.Ltmp3, $4  }
0xaf: {  	[hbm:s10], [sflag:s28] =	dma.local [spmem:s31], $0x2800  }
0xb0: {  	_ =	swait.ge [sflag:s17], $0x2800  }
0xb1: {  	[sflag:s17] =	ssyncset.done $0x0  }
0xb2: {  	[sflag:s17] =	ssyncadd.s32 $0xFFFFD800  }
0xb3: {  	_ =	sfence.sel $0x180000  }
0xb4: {  	[bflag:$0x0] =	sbarrier.arrive $0xFFFF  }
0xb5: {  	p0 =	sne.s32 s1, $0x0;
	_ =	strace $0x9000004A  }
0xb6: {  	s0 =	sadd.s32 @!p0 $0x100000, s0;
	[bflag:$0x2] =	sbarrier.arrive $0xFFFF  }
0xb7: {  	[sflag:s0] =	ssyncadd.tile.s32 @!p0 $0x1;
	_ =	shalt  }
.Lfunc_end2:
_tile_overlayer_lowered:
.L_overlay_start_2:
0xb8: {  	(tag) =	ssettag $0x2  }
0xb9: {  	s0 =	rddreg [dreg:$0x0];
	s2 =	stileid.u32  }
0xba: {  	s1 =	rddreg [dreg:$0x1];
	p0 =	sne.s32 s2, $0x0  }
0xbb: {  	s3 =	rddreg [dreg:$0x2];
	[bflag:$0x3] =	sbarrier.arrive $0xFFFF;
	s2 =	simm.s32 @!p0 $0x1C05  }
0xbc: {  	[timem:s3], [sflag:s2] =	dma.local @!p0 [hbm:s0], s1  }
0xbd: {  	s0 =	simm.s32 @!p0 $0x5  }
0xbe: {  	_ =	swait.ge @!p0 [sflag:s0], s1  }
0xbf: {  	s1 =	ssub.s32 @!p0 $0x0, s1;
	[sflag:s0] =	ssyncset.done @!p0 $0x0  }
0xc0: {  	[sflag:s0] =	ssyncadd.s32 @!p0 s1  }
0xc1: {  	[bflag:$0x3] =	sbarrier.arrive $0xFFFF  }
0xc2: {  	_ =	shalt  }

// kernel: kernel.8.cloned.1.call-start
scs
__scs_entry_jumppad:
0x0: {  	(pc) =	sbr.rel $0x88, $3  }
0x1: {  	(tag) =	ssettag $0x0;
	lr =	simm.s32 $0x1  }
0x2: {  	[smem:$0x3F99] =	sst lr;
	_ =	strace $0xD0000000  }
0x3: {  	_ = 	snop  }
0x4: {  	_ = 	snop  }
0x5: {  	_ = 	snop  }
0x6: {  	_ = 	snop  }
0x7: {  	_ = 	snop  }
__scs_overlays_trampoline_lowered:
0x8: {  	[smem:$0x3FA8] =	sst s0  }
0x9: {  	[smem:$0x3FA9] =	sst s1  }
0xa: {  	[smem:$0x3FAA] =	sst s2  }
0xb: {  	[smem:$0x3FAB] =	sst s3  }
0xc: {  	[smem:$0x3FAC] =	sst s4  }
0xd: {  	[smem:$0x3FAD] =	sst s5  }
0xe: {  	[smem:$0x3FAE] =	sst s6  }
0xf: {  	[smem:$0x3FAF] =	sst s7  }
0x10: {  	[smem:$0x3FB0] =	sst s8  }
0x11: {  	[smem:$0x3FB1] =	sst s9;
	s0 =	simm.s32 @!p0 $0x0  }
0x12: {  	s1 =	sld [smem:$0x3F97];
	s0 =	simm.s32 @p0 $0x1  }
0x13: {  	[smem:$0x3FB2] =	sst s0;
	s0 =	simm.s32 @!p1 $0x0  }
0x14: {  	s2 =	sld [smem:$0x3F96];
	s0 =	simm.s32 @p1 $0x1  }
0x15: {  	[smem:$0x3FB3] =	sst s0;
	s0 =	simm.s32 @!p2 $0x0  }
0x16: {  	s3 =	sld [smem:$0x3FDB];
	s0 =	simm.s32 @p2 $0x1  }
0x17: {  	s4 =	simm.s32 $0x1BF5;
	[smem:$0x3FB5] =	sst s0  }
0x18: {  	s0 =	sld [smem:$0x3F98];
	_ =	swait.ge [sflag:s4], $0x0  }
0x19: {  	s7 =	sld [smem:$0x3F99]  }
0x1a: {  	s8 =	sadd.s32 $0xFFFFE003, lr  }
0x1b: {  	s9 =	sadd.s32 $0xFFFFFEF7, lr;
	s5 =	simm.s32 $0xFFFFFFFF;
	p2 =	slt.u32 s8, $0xFFFFF086  }
0x1c: {  	p1 =	slt.u32 s9, $0xF7A;
	s5 =	simm.s32 @!p2 $0x0  }
0x1d: {  	s5 =	simm.s32 @p1 $0x1;
	p0 =	seq.s32 s7, s2  }
0x1e: {  	s7 =	smul.u32 @!p0 $0xF7A, s2;
	p2 =	seq.s32 @!p0 s5, $0x0  }
0x1f: {  	s9 =	smul.u32 $0xF7A, s1;
	s8 =	simm.s32 @!p0 $0x1BF5;
	p2 =	por !p2, p0  }
0x20: {  	[sflag:s8] =	ssyncset.s32 @!p0 $0xFFFFF086;
	s6 =	sadd.s32 @!p0 s3, s7;
	s7 =	simm.s32 @!p0 $0x108  }
0x21: {  	s3 =	sadd.s32 s3, s9;
	s6 =	sadd.s32 @!p0 $0x88, s6;
	s7 =	simm.s32 @p2 $0x1082  }
0x22: {  	[simem:s7], [sflag:s8] =	dma.local @!p0 [hbm:s6], $0xF7A  }
0x23: {  	s9 =	sor.u32 $0xD0000000, s2;
	s6 =	simm.s32 $0x108;
	_ =	swait.ge @!p0 [sflag:s8], $0x0  }
0x24: {  	s3 =	sadd.s32 $0x88, s3;
	s6 =	simm.s32 @!p1 $0x1082;
	[sflag:s4] =	ssyncset.s32 $0xFFFFF086  }
0x25: {  	[simem:s6], [sflag:s4] =	dma.local [hbm:s3], $0xF7A  }
0x26: {  	[smem:$0x3F99] =	sst s1;
	(tag) =	ssettag s2;
	_ =	strace s9  }
0x27: {  	s1 =	sld [smem:$0x3FA9]  }
0x28: {  	s2 =	sld [smem:$0x3FAA]  }
0x29: {  	s4 =	sld [smem:$0x3FAC]  }
0x2a: {  	p0 =	seq.s32 s5, $0x0;
	s5 =	sld [smem:$0x3FAD]  }
0x2b: {  	s6 =	sld [smem:$0x3FAE]  }
0x2c: {  	s7 =	sld [smem:$0x3FAF]  }
0x2d: {  	s3 =	simm.s32 $0x108;
	s8 =	sld [smem:$0x3FB0]  }
0x2e: {  	s3 =	simm.s32 @!p0 $0x1082;
	s9 =	sld [smem:$0x3FB1]  }
0x2f: {  	lr =	sadd.s32 s0, s3;
	s0 =	sld [smem:$0x3FA8]  }
0x30: {  	s3 =	sld [smem:$0x3FAB]  }
0x31: {  	[smem:$0x3FB4] =	sst s10  }
0x32: {  	s10 =	sld [smem:$0x3FB2];
	_ =	sdelay $0x3  }
0x33: {  	p0 =	seq.s32 s10, $0x1;
	s10 =	sld [smem:$0x3FB4];
	_ =	sdelay $0x3  }
0x34: {  	[smem:$0x3FB4] =	sst s10  }
0x35: {  	s10 =	sld [smem:$0x3FB3];
	_ =	sdelay $0x3  }
0x36: {  	p1 =	seq.s32 s10, $0x1;
	s10 =	sld [smem:$0x3FB4];
	_ =	sdelay $0x3  }
0x37: {  	[smem:$0x3FB4] =	sst s10  }
0x38: {  	s10 =	sld [smem:$0x3FB5]  }
0x39: {  	_ = 	snop;
	(pc) =	sbr.ind lr, $3  }
0x3a: {  	_ = 	snop  }
0x3b: {  	_ = 	snop  }
0x3c: {  	p2 =	seq.s32 s10, $0x1;
	s10 =	sld [smem:$0x3FB4]  }
0x3d: {  	_ =	shalt  }
0x3e: {  	_ =	shalt  }
0x3f: {  	_ =	shalt  }
0x40: {  	_ =	shalt  }
0x41: {  	_ =	shalt  }
0x42: {  	_ =	shalt  }
0x43: {  	_ =	shalt  }
0x44: {  	_ =	shalt  }
0x45: {  	_ =	shalt  }
0x46: {  	_ =	shalt  }
0x47: {  	_ =	shalt  }
0x48: {  	_ =	shalt  }
0x49: {  	_ =	shalt  }
0x4a: {  	_ =	shalt  }
0x4b: {  	_ =	shalt  }
0x4c: {  	_ =	shalt  }
0x4d: {  	_ =	shalt  }
0x4e: {  	_ =	shalt  }
0x4f: {  	_ =	shalt  }
0x50: {  	_ =	shalt  }
0x51: {  	_ =	shalt  }
0x52: {  	_ =	shalt  }
0x53: {  	_ =	shalt  }
0x54: {  	_ =	shalt  }
0x55: {  	_ =	shalt  }
0x56: {  	_ =	shalt  }
0x57: {  	_ =	shalt  }
0x58: {  	_ =	shalt  }
0x59: {  	_ =	shalt  }
0x5a: {  	_ =	shalt  }
0x5b: {  	_ =	shalt  }
0x5c: {  	_ =	shalt  }
0x5d: {  	_ =	shalt  }
0x5e: {  	_ =	shalt  }
0x5f: {  	_ =	shalt  }
0x60: {  	_ =	shalt  }
0x61: {  	_ =	shalt  }
0x62: {  	_ =	shalt  }
0x63: {  	_ =	shalt  }
0x64: {  	_ =	shalt  }
0x65: {  	_ =	shalt  }
0x66: {  	_ =	shalt  }
0x67: {  	_ =	shalt  }
0x68: {  	_ =	shalt  }
0x69: {  	_ =	shalt  }
0x6a: {  	_ =	shalt  }
0x6b: {  	_ =	shalt  }
0x6c: {  	_ =	shalt  }
0x6d: {  	_ =	shalt  }
0x6e: {  	_ =	shalt  }
0x6f: {  	_ =	shalt  }
0x70: {  	_ =	shalt  }
0x71: {  	_ =	shalt  }
0x72: {  	_ =	shalt  }
0x73: {  	_ =	shalt  }
0x74: {  	_ =	shalt  }
0x75: {  	_ =	shalt  }
0x76: {  	_ =	shalt  }
0x77: {  	_ =	shalt  }
0x78: {  	_ =	shalt  }
0x79: {  	_ =	shalt  }
0x7a: {  	_ =	shalt  }
0x7b: {  	_ =	shalt  }
0x7c: {  	_ =	shalt  }
0x7d: {  	_ =	shalt  }
0x7e: {  	_ =	shalt  }
0x7f: {  	_ =	shalt  }
0x80: {  	_ =	shalt  }
0x81: {  	_ =	shalt  }
0x82: {  	_ =	shalt  }
0x83: {  	_ =	shalt  }
0x84: {  	_ =	shalt  }
0x85: {  	_ =	shalt  }
0x86: {  	_ =	shalt  }
0x87: {  	_ =	shalt  }
.Lfunc_end0:
.L_simem_size_0:
called_computation_lowered:
.L_overlay_start_0:
0x88: {  	s2 =	sld [smem:$0x3FD9]  }
0x89: {  	s3 =	sld [smem:$0x3FFE];
	_ =	sdelay $0x1  }
0x8a: {  	s1 =	srdreg.scid  }
0x8b: {  	s0 =	sand.u32 $0x1, s1  }
0x8c: {  	s16 =	sshll.u32 s0, $0xA;
	s2 =	sadd.s32 s3, s2  }
0x8d: {  	s2 =	sadd.s32 s2, s16  }
0x8e: {  	[smem:$0x3FC0] =	sst s2  }
0x8f: {  	_ = 	snop  }
0x90: {  	(tm) =	ssettm $0x1  }
0x91: {  	s17 =	sld [smem:$0x3FFB];
	_ =	sdelay $0x3  }
0x92: {  	_ =	strace s17  }
0x93: {  	s2 =	sld [smem:$0x3FFC];
	_ =	sdelay $0x3  }
0x94: {  	_ =	strace s2  }
0x95: {  	s2 =	sld [smem:$0x3FFD];
	_ =	sdelay $0x3  }
0x96: {  	_ =	strace s2  }
0x97: {  	_ =	strace $0x8FFFFFFF  }
0x98: {  	s18 =	sld [smem:$0x3FDB];
	_ =	sdelay $0x1  }
0x99: {  	s19 =	simm.s32 $_scs_section_size  }
0x9a: {  	s4 =	simm.s32 $_size__tile_overlayer_lowered;
	s5 =	simm.s32 $_tile_overlayer_lowered  }
0x9b: {  	s22 =	simm.s32 $0x1BFF;
	s21 =	sshll.u32 s5, $0x1;
	s2 =	sadd.s32 s19, s18  }
0x9c: {  	s6 =	simm.s32 $0x0;
	s20 =	sshll.u32 s4, $0x1;
	s4 =	sadd.s32 s21, s2  }
0x9d: {  	[timem:s6], [sflag:s22] =	dma.local [hbm:s4], s20  }
0x9e: {  	_ =	swait.ge [sflag:s22], s20  }
0x9f: {  	s3 =	ssub.s32 $0x0, s20;
	[sflag:s22] =	ssyncset.done $0x0  }
0xa0: {  	[sflag:s22] =	ssyncadd.s32 s3;
	_ =	sdelay $0x1  }
0xa1: {  	s23 =	simm.s32 $0x1B8B  }
0xa2: {  	_ =	swait.ge [sflag:s23], $0x1  }
0xa3: {  	[sflag:s23] =	ssyncset.done $0x0  }
0xa4: {  	s25 =	simm.s32 $0x1B8E;
	s24 =	sld [smem:$0x3FFE];
	[sflag:s23] =	ssyncadd.s32 $0xFFFFFFFF  }
0xa5: {  	s26 =	simm.s32 $execute0_lowered;
	[smem:$0x3FD2] =	sst s25  }
0xa6: {  	s4 =	sshll.u32 s26, $0x1;
	_ =	strace $0x80000046;
	[dreg:$0x1] =	wrdreg $0xFFFFFFFF  }
0xa7: {  	s28 =	simm.s32 $_size_execute0_lowered;
	s2 =	sadd.s32 s2, s4;
	[dreg:$0x0] =	wrdreg $0x0  }
0xa8: {  	s4 =	sshll.u32 s28, $0x1;
	[dreg:$0x2] =	wrdreg s2  }
0xa9: {  	[dreg:$0x3] =	wrdreg s4  }
0xaa: {  	[dreg:$0x4] =	wrdreg $0xC0  }
0xab: {  	_ =	task [dreg:s6], $0x5FFFF  }
0xac: {  	[dreg:$0x1] =	wrdreg $0xFFFFFFFF  }
0xad: {  	[dreg:$0x0] =	wrdreg $0x60  }
0xae: {  	[dreg:$0x2] =	wrdreg s24  }
0xaf: {  	[dreg:$0x3] =	wrdreg $0x30800  }
0xb0: {  	[dreg:$0x4] =	wrdreg $0x9  }
0xb1: {  	_ =	task.clear_ibuf [dreg:s6], $0x5FFFF;
	_ =	strace $0x90000046  }
0xb2: {  	s29 =	simm.s32 $0x9;
	_ =	strace $0x80000048  }
0xb3: {  	_ =	swait.ge [sflag:s29], $0x1  }
0xb4: {  	[sflag:s29] =	ssyncadd.s32 $0xFFFFFFFF  }
0xb5: {  	_ =	strace $0x90000048  }
0xb6: {  	_ =	sfence  }
0xb7: {  	s30 =	sld [smem:$0x0];
	_ =	sdelay $0x2  }
0xb8: {  	s31 =	sshll.u32 s1, $0xD;
	s1 =	sshrl.u32 s1, $0x2  }
0xb9: {  	s3 =	sand.u32 $0x4000, s31;
	s1 =	sadd.s32 s1, s30  }
0xba: {  	s0 =	sor.u32 s3, s0;
	s1 =	sshll.u32 s1, $0x11  }
0xbb: {  	s0 =	sor.u32 s1, s0  }
0xbc: {  	s0 =	sadd.s32 $0x8F2B, s0  }
0xbd: {  	[sflag:s0] =	ssyncadd.remote.s32 $0x1  }
0xbe: {  	_ =	sfence.sel $0xFFFF  }
0xbf: {  	[dreg:$0x0] =	wrdreg $0xFFFFFFFF;
	(pc) =	sbr.abs _section_cstart, $3  }
0xc0: {  	[dreg:$0x1] =	wrdreg $0xFFFFFFFF  }
0xc1: {  	_ =	task.clear_ibuf [dreg:s6], $0x2FFFF;
	_ =	strace $0x9FFFFFFF  }
0xc2: {  	(tm) =	ssettm $0x7FFFFFFF  }
0xc3: {  	_ =	shalt  }
tec
execute0_lowered:
.L_overlay_start_1:
0x0: {  	(tag) =	ssettag $0x1  }
0x1: {  	s4 =	rddreg [dreg:$0x0]  }
0x2: {  	s1 =	rddreg [dreg:$0x1]  }
0x3: {  	s2 =	srdreg.scid;
	s0 =	rddreg [dreg:$0x2]  }
0x4: {  	s3 =	simm.s32 $0x0;
	s10 =	simm.s32 $0x2880;
	s11 =	simm.s32 $0x1  }
0x5: {  	s12 =	simm.s32 $0x2C80;
	s13 =	simm.s32 $0x0;
	s5 =	sand.u32 $0x1, s2  }
0x6: {  	s2 =	stileid.u32;
	[smem:$0x7FF] =	sst s3;
	s6 =	sshll.u32 s5, $0x4  }
0x7: {  	s7 =	sshll.u32 s2, $0xA;
	s8 =	sshll.u32 s5, $0xE;
	_ =	strace $0x80000047  }
0x8: {  	s5 =	ssub.s32 $0x2, s5;
	s6 =	sor.u32 s2, s6;
	s8 =	sor.u32 s7, s8  }
0x9: {  	s9 =	sshrl.u32 s5, $0x1;
	s6 =	smul.u32 $0x500, s6;
	s8 =	sshrl.u32 s8, $0x3  }
0xa: {  	s9 =	ssub.s32 s5, s9;
	s5 =	sadd.s32 s7, s1;
	s8 =	sadd.s32 s8, s4  }
0xb: {  	s7 =	smax.u32 s9, $0x1;
	s9 =	simm.s32 $0x2;
	s6 =	sadd.s32 s6, s4  }
0xc: {  	v0 =	vimm.f32 $0.0e+00;
	v1 =	vimm.f32 $1.000000000e+00;
	s4 =	sadd.s32 $0x1A00, s6;
	s6 =	sadd.s32 $0x15A00, s8;
	s8 =	simm.s32 $0x80  }
.LBB2_1:
0xd: {  	[tilespmem:s8], [sflag:$0x2] =	stream.linear.gather [hbm4b:s4+s3], $0x2800, $0x38;
	[tilespmem:$0x3480] =	vst v63  }
0xe: {  	_ =	swait.ge [sflag:s9], $0x2800  }
0xf: {  	[sflag:s9] =	ssyncset.done $0x0  }
0x10: {  	s14 =	simm.s32 $0x40;
	s15 =	simm.s32 $0x0;
	[sflag:s9] =	ssyncadd.s32 $0xFFFFD800  }
.LBB2_2:
0x11: {  	p0 =	sne.s32 s14, $0xFC0;
	[tilespmem:s15+$0x2880] =	vst v0;
	s15 =	smov.u32 s14;
	s14 =	sadd.s32 $0x40, s14  }
.Ltmp0:
0x12: {  	(pc) =	sbr.rel @p0 .LBB2_2-.Ltmp0, $2  }
0x13: {  	_ =	sdelay $0x2  }
0x14: {  	s15 =	sshra.s32 s15, $0x2  }
0x15: {  	[tilespmem:s15+$0x2880] =	vst v0  }
0x16: {  	[tilespmem:$0x0] =	vst v1  }
0x17: {  	[tilespmem:$0x10] =	vst v1  }
0x18: {  	[tilespmem:$0x20] =	vst v1  }
0x19: {  	[tilespmem:$0x30] =	vst v1  }
0x1a: {  	[tilespmem:$0x40] =	vst v1  }
0x1b: {  	[tilespmem:$0x50] =	vst v1  }
0x1c: {  	[tilespmem:$0x60] =	vst v1  }
0x1d: {  	[tilespmem:$0x70] =	vst v1  }
0x1e: {  	[spmem:s5] =	stream.linear.scatter [tilespmem:s10], [sflag:$0x2], $0x400, $0x38;
	[tilespmem:$0x3480] =	vst v63  }
0x1f: {  	_ =	swait.ge [sflag:s9], $0x400  }
0x20: {  	[sflag:s9] =	ssyncset.done $0x0  }
0x21: {  	[sflag:s9] =	ssyncadd.s32 $0xFFFFFC00  }
0x22: {  	s14 =	simm.s32 $0x0;
	[bflag:$0x0] =	sbarrier.arrive $0xFFFF  }
.LBB2_4:
0x23: {  	p0 =	sne.s32 s14, $0x9E00  }
.Ltmp1:
0x24: {  	_ = 	snop;
	(pc) =	sbr.rel @p0 .LBB2_4-.Ltmp1, $4  }
0x25: {  	_ = 	snop  }
0x26: {  	s15 =	sshra.s32 s14, $0x2  }
0x27: {  	s14 =	sadd.s32 $0x200, s14;
	s15 =	sadd.s32 $0x80, s15  }
0x28: {  	[spmem:s1] =	stream.indirect.scatter.add.f32 [tilespmem:s3], [sflag:$0x1], $0x1, s15, s8, $0xb8;
	[tilespmem:$0x3480] =	vst v63  }
0x29: {  	_ =	swait.ge [sflag:s11], $0x80  }
0x2a: {  	s14 =	simm.s32 $0x4F;
	[sflag:s11] =	ssyncset.done $0x0  }
.LBB2_6:
0x2b: {  	p0 =	sne.s32 s14, $0x1;
	s14 =	sadd.s32 $0xFFFFFFFF, s14;
	[sflag:s11] =	ssyncadd.s32 $0xFFFFFF80  }
.Ltmp2:
0x2c: {  	(pc) =	sbr.rel @p0 .LBB2_6-.Ltmp2, $3  }
0x2d: {  	_ =	sdelay $0x1  }
0x2e: {  	_ =	swait.ge [sflag:s11], $0x80  }
0x2f: {  	[sflag:s11] =	ssyncset.done $0x0  }
0x30: {  	[sflag:s11] =	ssyncadd.s32 $0xFFFFFF80  }
0x31: {  	[bflag:$0x0] =	sbarrier.arrive $0xFFFF  }
0x32: {  	[tilespmem:s10], [sflag:$0x2] =	stream.linear.gather [spmem:s5], $0x400, $0x38;
	[tilespmem:$0x3480] =	vst v63  }
0x33: {  	_ =	swait.ge [sflag:s9], $0x400  }
0x34: {  	[sflag:s9] =	ssyncset.done $0x0  }
0x35: {  	[sflag:s9] =	ssyncadd.s32 $0xFFFFFC00  }
0x36: {  	v2 =	vld [tilespmem:$0x2880]  }
0x37: {  	v3 =	vld [tilespmem:$0x2890]  }
0x38: {  	v4 =	vld [tilespmem:$0x28A0]  }
0x39: {  	v5 =	vld [tilespmem:$0x28B0]  }
0x3a: {  	v6 =	vld [tilespmem:$0x28C0]  }
0x3b: {  	v29 =	vld [tilespmem:$0x28F0];
	[tilespmem:$0x2C80] =	vst v2  }
0x3c: {  	v30 =	vld [tilespmem:$0x2900];
	[tilespmem:$0x2C90] =	vst v3  }
0x3d: {  	v2 =	vld [tilespmem:$0x28D0];
	[tilespmem:$0x2CA0] =	vst v4  }
0x3e: {  	v3 =	vld [tilespmem:$0x28E0];
	[tilespmem:$0x2CB0] =	vst v5  }
0x3f: {  	v31 =	vld [tilespmem:$0x2910];
	[tilespmem:$0x2CC0] =	vst v6  }
0x40: {  	v32 =	vld [tilespmem:$0x2940];
	[tilespmem:$0x2CF0] =	vst v29  }
0x41: {  	v33 =	vld [tilespmem:$0x2950];
	[tilespmem:$0x2D00] =	vst v30  }
0x42: {  	[tilespmem:$0x2CD0] =	vst v2;
	v2 =	vld [tilespmem:$0x2920]  }
0x43: {  	[tilespmem:$0x2CE0] =	vst v3;
	v3 =	vld [tilespmem:$0x2930]  }
0x44: {  	v34 =	vld [tilespmem:$0x2960];
	[tilespmem:$0x2D10] =	vst v31  }
0x45: {  	v35 =	vld [tilespmem:$0x2990];
	[tilespmem:$0x2D40] =	vst v32  }
0x46: {  	v36 =	vld [tilespmem:$0x29A0];
	[tilespmem:$0x2D50] =	vst v33  }
0x47: {  	[tilespmem:$0x2D20] =	vst v2;
	v2 =	vld [tilespmem:$0x2970]  }
0x48: {  	[tilespmem:$0x2D30] =	vst v3;
	v3 =	vld [tilespmem:$0x2980]  }
0x49: {  	v37 =	vld [tilespmem:$0x29B0];
	[tilespmem:$0x2D60] =	vst v34  }
0x4a: {  	v38 =	vld [tilespmem:$0x29E0];
	[tilespmem:$0x2D90] =	vst v35  }
0x4b: {  	v39 =	vld [tilespmem:$0x29F0];
	[tilespmem:$0x2DA0] =	vst v36  }
0x4c: {  	[tilespmem:$0x2D70] =	vst v2;
	v2 =	vld [tilespmem:$0x29C0]  }
0x4d: {  	[tilespmem:$0x2D80] =	vst v3;
	v3 =	vld [tilespmem:$0x29D0]  }
0x4e: {  	v40 =	vld [tilespmem:$0x2A00];
	[tilespmem:$0x2DB0] =	vst v37  }
0x4f: {  	v41 =	vld [tilespmem:$0x2A30];
	[tilespmem:$0x2DE0] =	vst v38  }
0x50: {  	v42 =	vld [tilespmem:$0x2A40];
	[tilespmem:$0x2DF0] =	vst v39  }
0x51: {  	[tilespmem:$0x2DC0] =	vst v2;
	v2 =	vld [tilespmem:$0x2A10]  }
0x52: {  	[tilespmem:$0x2DD0] =	vst v3;
	v3 =	vld [tilespmem:$0x2A20]  }
0x53: {  	v43 =	vld [tilespmem:$0x2A50];
	[tilespmem:$0x2E00] =	vst v40  }
0x54: {  	v44 =	vld [tilespmem:$0x2A80];
	[tilespmem:$0x2E30] =	vst v41  }
0x55: {  	v45 =	vld [tilespmem:$0x2A90];
	[tilespmem:$0x2E40] =	vst v42  }
0x56: {  	[tilespmem:$0x2E10] =	vst v2;
	v2 =	vld [tilespmem:$0x2A60]  }
0x57: {  	[tilespmem:$0x2E20] =	vst v3;
	v3 =	vld [tilespmem:$0x2A70]  }
0x58: {  	v46 =	vld [tilespmem:$0x2AA0];
	[tilespmem:$0x2E50] =	vst v43  }
0x59: {  	v47 =	vld [tilespmem:$0x2AD0];
	[tilespmem:$0x2E80] =	vst v44  }
0x5a: {  	v48 =	vld [tilespmem:$0x2AE0];
	[tilespmem:$0x2E90] =	vst v45  }
0x5b: {  	[tilespmem:$0x2E60] =	vst v2;
	v2 =	vld [tilespmem:$0x2AB0]  }
0x5c: {  	[tilespmem:$0x2E70] =	vst v3;
	v3 =	vld [tilespmem:$0x2AC0]  }
0x5d: {  	v49 =	vld [tilespmem:$0x2AF0];
	[tilespmem:$0x2EA0] =	vst v46  }
0x5e: {  	v50 =	vld [tilespmem:$0x2B20];
	[tilespmem:$0x2ED0] =	vst v47  }
0x5f: {  	v51 =	vld [tilespmem:$0x2B30];
	[tilespmem:$0x2EE0] =	vst v48  }
0x60: {  	[tilespmem:$0x2EB0] =	vst v2;
	v2 =	vld [tilespmem:$0x2B00]  }
0x61: {  	[tilespmem:$0x2EC0] =	vst v3;
	v3 =	vld [tilespmem:$0x2B10]  }
0x62: {  	v52 =	vld [tilespmem:$0x2B40];
	[tilespmem:$0x2EF0] =	vst v49  }
0x63: {  	v53 =	vld [tilespmem:$0x2B70];
	[tilespmem:$0x2F20] =	vst v50  }
0x64: {  	v54 =	vld [tilespmem:$0x2B80];
	[tilespmem:$0x2F30] =	vst v51  }
0x65: {  	[tilespmem:$0x2F00] =	vst v2;
	v2 =	vld [tilespmem:$0x2B50]  }
0x66: {  	[tilespmem:$0x2F10] =	vst v3;
	v3 =	vld [tilespmem:$0x2B60]  }
0x67: {  	v55 =	vld [tilespmem:$0x2B90];
	[tilespmem:$0x2F40] =	vst v52  }
0x68: {  	v56 =	vld [tilespmem:$0x2BC0];
	[tilespmem:$0x2F70] =	vst v53  }
0x69: {  	v57 =	vld [tilespmem:$0x2BD0];
	[tilespmem:$0x2F80] =	vst v54  }
0x6a: {  	[tilespmem:$0x2F50] =	vst v2;
	v2 =	vld [tilespmem:$0x2BA0]  }
0x6b: {  	[tilespmem:$0x2F60] =	vst v3;
	v3 =	vld [tilespmem:$0x2BB0]  }
0x6c: {  	v58 =	vld [tilespmem:$0x2BE0];
	[tilespmem:$0x2F90] =	vst v55  }
0x6d: {  	v59 =	vld [tilespmem:$0x2C10];
	[tilespmem:$0x2FC0] =	vst v56  }
0x6e: {  	v60 =	vld [tilespmem:$0x2C20];
	[tilespmem:$0x2FD0] =	vst v57  }
0x6f: {  	[tilespmem:$0x2FA0] =	vst v2;
	v2 =	vld [tilespmem:$0x2BF0]  }
0x70: {  	[tilespmem:$0x2FB0] =	vst v3;
	v3 =	vld [tilespmem:$0x2C00]  }
0x71: {  	v61 =	vld [tilespmem:$0x2C30];
	[tilespmem:$0x2FE0] =	vst v58  }
0x72: {  	v62 =	vld [tilespmem:$0x2C60];
	[tilespmem:$0x3010] =	vst v59  }
0x73: {  	v63 =	vld [tilespmem:$0x2C70];
	[tilespmem:$0x3020] =	vst v60  }
0x74: {  	[tilespmem:$0x2FF0] =	vst v2;
	v2 =	vld [tilespmem:$0x2C40]  }
0x75: {  	[tilespmem:$0x3000] =	vst v3;
	v3 =	vld [tilespmem:$0x2C50]  }
0x76: {  	[tilespmem:$0x3030] =	vst v61  }
0x77: {  	[tilespmem:$0x3060] =	vst v62  }
0x78: {  	s13 =	sadd.s32 $0x1, s13;
	[tilespmem:$0x3070] =	vst v63  }
0x79: {  	p0 =	sne.s32 s13, s7;
	[tilespmem:$0x3040] =	vst v2  }
.Ltmp3:
0x7a: {  	[tilespmem:$0x3050] =	vst v3;
	(pc) =	sbr.rel @p0 .LBB2_1-.Ltmp3, $4  }
0x7b: {  	[hbm4b:s6+s3] =	stream.linear.scatter [tilespmem:s12], [sflag:$0x2], $0x400, $0x38;
	[tilespmem:$0x3480] =	vst v63  }
0x7c: {  	_ =	swait.ge [sflag:s9], $0x400  }
0x7d: {  	[sflag:s9] =	ssyncset.done $0x0  }
0x7e: {  	[sflag:s9] =	ssyncadd.s32 $0xFFFFFC00  }
0x7f: {  	_ =	sfence.sel $0x180000  }
0x80: {  	[bflag:$0x0] =	sbarrier.arrive $0xFFFF  }
0x81: {  	p0 =	sne.s32 s2, $0x0;
	_ =	strace $0x90000047  }
0x82: {  	s0 =	sadd.s32 @!p0 $0x100000, s0;
	[bflag:$0x2] =	sbarrier.arrive $0xFFFF  }
0x83: {  	[sflag:s0] =	ssyncadd.tile.s32 @!p0 $0x1;
	_ =	shalt  }
.Lfunc_end2:
_tile_overlayer_lowered:
.L_overlay_start_2:
0x84: {  	(tag) =	ssettag $0x2  }
0x85: {  	s0 =	rddreg [dreg:$0x0];
	s2 =	stileid.u32  }
0x86: {  	s1 =	rddreg [dreg:$0x1];
	p0 =	sne.s32 s2, $0x0  }
0x87: {  	s3 =	rddreg [dreg:$0x2];
	[bflag:$0x3] =	sbarrier.arrive $0xFFFF;
	s2 =	simm.s32 @!p0 $0x1C02  }
0x88: {  	[timem:s3], [sflag:s2] =	dma.local @!p0 [hbm:s0], s1  }
0x89: {  	s0 =	simm.s32 @!p0 $0x2  }
0x8a: {  	_ =	swait.ge @!p0 [sflag:s0], s1  }
0x8b: {  	s1 =	ssub.s32 @!p0 $0x0, s1;
	[sflag:s0] =	ssyncset.done @!p0 $0x0  }
0x8c: {  	[sflag:s0] =	ssyncadd.s32 @!p0 s1  }
0x8d: {  	[bflag:$0x3] =	sbarrier.arrive $0xFFFF  }
0x8e: {  	_ =	shalt  }

</sc_bundles>
